<compile_context>
chip_gen: v7x
topology: tpu7x:2x2x1
jax: 0.10.2.dev20260603
libtpu: 0.0.44.dev20260713+nightly
codegen_flags: <defaults>
</compile_context>

<pallas_src>
import jax
import jax.numpy as jnp
from jax import lax
from jax.experimental import pallas as pl
from jax.experimental.pallas import tpu as pltpu
from jax.experimental.pallas import tpu_sc as plsc

_TOPK = 9
_NC, _NS, _L = 2, 16, 16
_NW = _NC * _NS
_NBUFV = 15
_CAP = 112
_BLK = 128
_NMB = 80


def _prep_body(gt_ref, anch_ref, dmin_ref, acx_ref, acy_ref, gb_ref):
    ax1 = anch_ref[0:1, :]
    ay1 = anch_ref[1:2, :]
    ax2 = anch_ref[2:3, :]
    ay2 = anch_ref[3:4, :]
    acx = (ax1 + ax2) / 2
    acy = (ay1 + ay2) / 2

    gt = gt_ref[0]
    gx1 = gt[:, 0:1]
    gy1 = gt[:, 1:2]
    gx2 = gt[:, 2:3]
    gy2 = gt[:, 3:4]
    gcx = (gx1 + gx2) / 2
    gcy = (gy1 + gy2) / 2

    m = gt.shape[0]
    ap = anch_ref.shape[1]

    acx_ref[...] = acx[0]
    acy_ref[...] = acy[0]
    gb_ref[0] = jnp.concatenate(
        [jnp.broadcast_to(c, (m, _L)) for c in (gx1, gy1, gx2, gy2)], axis=1
    )

    dx = gcx - acx
    dy = gcy - acy
    d2 = dx * dx + dy * dy

    nblk = ap // _BLK
    dmin = jnp.min(d2.reshape(m, nblk, _BLK), axis=2)
    dmin_ref[0] = jnp.concatenate(
        [dmin, jnp.full((m, _NMB - nblk), jnp.inf, jnp.float32)], axis=1
    )



def _topk_sc_body(anch_hbm, acx_hbm, acy_hbm, dmin_hbm, gb_hbm, tv_hbm,
                  ax1b, ay1b, ax2b, ay2b, acxbuf, acybuf,
                  dminbuf, gbbuf, dbuf, ibuf, tvbuf, tvec, off_ref):
    ap = acxbuf.shape[0]
    nrows = gb_hbm.shape[0] // (4 * _L)
    rows_per_w = nrows // _NW
    wid = lax.axis_index("s") * _NC + lax.axis_index("c")
    base = wid * rows_per_w
    lane = lax.iota(jnp.int32, _L)

    pltpu.sync_copy(anch_hbm.at[0], ax1b)
    pltpu.sync_copy(anch_hbm.at[1], ay1b)
    pltpu.sync_copy(anch_hbm.at[2], ax2b)
    pltpu.sync_copy(anch_hbm.at[3], ay2b)
    pltpu.sync_copy(acx_hbm, acxbuf)
    pltpu.sync_copy(acy_hbm, acybuf)
    pltpu.sync_copy(
        dmin_hbm.at[pl.ds(pl.multiple_of(base * _NMB, _L), rows_per_w * _NMB)],
        dminbuf,
    )
    pltpu.sync_copy(
        gb_hbm.at[pl.ds(pl.multiple_of(base * 4 * _L, _L), rows_per_w * 4 * _L)],
        gbbuf,
    )

    def top16(off):
        tk0 = jnp.full((_L,), jnp.inf, jnp.float32)
        ti0 = jnp.zeros((_L,), jnp.int32)

        def step(j, carry):
            tk, ti = carry
            b0 = pl.multiple_of(j * _L, _L)
            valid = (j * _L + lane) < off
            k = jnp.where(valid, dbuf[pl.ds(b0, _L)], jnp.inf)
            iv = ibuf[pl.ds(b0, _L)]
            kd, idd = plsc.sort_key_val(k, iv, descending=True)
            mm = kd < tk
            nk = jnp.where(mm, kd, tk)
            ni = jnp.where(mm, idd, ti)
            return tuple(plsc.sort_key_val(nk, ni))

        return lax.fori_loop(0, (off + _L - 1) // _L, step, (tk0, ti0))

    def compact():
        tk, ti = top16(off_ref[0])
        dbuf[pl.ds(0, _L)] = tk
        ibuf[pl.ds(0, _L)] = ti
        off_ref[0] = _L
        tvec[...] = jnp.broadcast_to(tk[_TOPK - 1], (_L,))

    def process_row(i, _):
        gb0 = pl.multiple_of(i * 4 * _L, _L)
        gx1 = gbbuf[pl.ds(gb0, _L)]
        gy1 = gbbuf[pl.ds(gb0 + _L, _L)]
        gx2 = gbbuf[pl.ds(gb0 + 2 * _L, _L)]
        gy2 = gbbuf[pl.ds(gb0 + 3 * _L, _L)]
        gx = (gx1 + gx2) / 2
        gy = (gy1 + gy2) / 2

        def d2_at(sb):
            ax = acxbuf[pl.ds(sb, _L)]
            ay = acybuf[pl.ds(sb, _L)]
            dx = gx - ax
            dy = gy - ay
            return dx * dx + dy * dy

        iseed = jnp.where(lane < 8, lane, lane + 72)
        axs = plsc.load_gather(acxbuf, [iseed])
        ays = plsc.load_gather(acybuf, [iseed])
        dxs = gx - axs
        dys = gy - ays
        sv, si = plsc.sort_key_val(dxs * dxs + dys * dys, iseed)
        dbuf[pl.ds(0, _L)] = sv
        ibuf[pl.ds(0, _L)] = si
        off_ref[0] = _L
        tvec[...] = jnp.broadcast_to(sv[_TOPK - 1], (_L,))

        rowbase = i * _NMB

        def scanj(j, _):
            mv = dminbuf[pl.ds(pl.multiple_of(rowbase + j * _L, _L), _L)]
            hm = mv < tvec[...]
            cnt = jnp.sum(hm.astype(jnp.int32))

            @pl.when(cnt > 0)
            def _():
                def wcond(mvec):
                    return jnp.sum(mvec) > 0

                def wbody(mvec):
                    fidx = plsc.all_reduce_ffs(mvec > 0)[0]
                    bb = (j * _L + fidx) * _BLK
                    tval = tvec[...]
                    subs = []
                    for s in range(_BLK // _L):
                        sb = pl.multiple_of(bb + s * _L, _L)
                        v = d2_at(sb)
                        idxv = bb + s * _L + lane
                        notseed = (idxv >= 8) & ((idxv < 80) | (idxv >= 88))
                        m2 = (v < tval) & notseed
                        cs = jnp.cumsum(m2.astype(jnp.int32))
                        subs.append((v, idxv, m2, cs))
                    off = off_ref[0]
                    for v, idxv, m2, cs in subs:
                        pos = off + cs - 1
                        plsc.store_scatter(dbuf, [pos], v, mask=m2)
                        plsc.store_scatter(ibuf, [pos], idxv, mask=m2)
                        off = off + cs[_L - 1]
                    off_ref[0] = off

                    @pl.when(off > _CAP)
                    def _():
                        compact()

                    return mvec * (lane != fidx).astype(jnp.int32)

                lax.while_loop(wcond, wbody, hm.astype(jnp.int32))

            return 0

        lax.fori_loop(0, _NMB // _L, scanj, 0)

        tk, ti = top16(off_ref[0])
        ax1 = plsc.load_gather(ax1b, [ti])
        ay1 = plsc.load_gather(ay1b, [ti])
        ax2 = plsc.load_gather(ax2b, [ti])
        ay2 = plsc.load_gather(ay2b, [ti])
        ox = jnp.minimum(gx2, ax2) - jnp.maximum(gx1, ax1)
        oy = jnp.minimum(gy2, ay2) - jnp.maximum(gy1, ay1)
        overlap = jnp.maximum(ox, 0.0) * jnp.maximum(oy, 0.0)
        area1 = jnp.maximum(gx2 - gx1, 0.0) * jnp.maximum(gy2 - gy1, 0.0)
        area2 = jnp.maximum(ax2 - ax1, 0.0) * jnp.maximum(ay2 - ay1, 0.0)
        union = area1 + area2 - overlap + 1e-9
        tvv = overlap / union
        tvv = jnp.where(lane < _TOPK, tvv, 0.0)
        tvbuf[pl.ds(pl.multiple_of(i * _L, _L), _L)] = tvv
        return 0

    lax.fori_loop(0, rows_per_w, process_row, 0)
    dst = tv_hbm.at[pl.ds(pl.multiple_of(base * _L, _L * 8), rows_per_w * _L)]
    pltpu.sync_copy(tvbuf, dst)


def _mask_body(gt_ref, anch_ref, tv_ref, pos_ref, neg_ref):
    a = pos_ref.shape[2]
    ax1 = anch_ref[0:1, :]
    ay1 = anch_ref[1:2, :]
    ax2 = anch_ref[2:3, :]
    ay2 = anch_ref[3:4, :]

    gt = gt_ref[0]
    gx1 = gt[:, 0:1]
    gy1 = gt[:, 1:2]
    gx2 = gt[:, 2:3]
    gy2 = gt[:, 3:4]

    ox = jnp.minimum(gx2, ax2) - jnp.maximum(gx1, ax1)
    oy = jnp.minimum(gy2, ay2) - jnp.maximum(gy1, ay1)
    overlap = jnp.maximum(ox, 0.0) * jnp.maximum(oy, 0.0)
    area1 = jnp.maximum(gx2 - gx1, 0.0) * jnp.maximum(gy2 - gy1, 0.0)
    area2 = jnp.maximum(ax2 - ax1, 0.0) * jnp.maximum(ay2 - ay1, 0.0)
    union = area1 + area2 - overlap + 1e-9
    iou = overlap / union

    tv = tv_ref[0]
    msk = (tv > 0).astype(jnp.float32)
    n = jnp.sum(msk)
    mean = jnp.sum(tv * msk) / n
    var = jnp.sum(((tv - mean) ** 2) * msk) / (n - 1.0)
    thr = mean + jnp.sqrt(var)

    iou_v = iou[:, :a]
    pos_ref[0] = (iou_v > thr).astype(jnp.int8)
    neg_ref[0] = (iou_v < thr).astype(jnp.int8)


def kernel(gt_bboxes, images, anchors):
    del images
    b, m, _ = gt_bboxes.shape
    a = anchors.shape[0]
    ap = ((a + 127) // 128) * 128

    anch = jnp.concatenate(
        [anchors, jnp.full((ap - a, 4), 1e9, jnp.float32)], axis=0
    )
    anch_t = jnp.concatenate([anch.T, jnp.zeros((4, ap), jnp.float32)], axis=0)

    dmin_all, acx, acy, gb = pl.pallas_call(
        _prep_body,
        grid=(b,),
        in_specs=[
            pl.BlockSpec((1, m, 4), lambda i: (i, 0, 0)),
            pl.BlockSpec((8, ap), lambda i: (0, 0)),
        ],
        out_specs=[
            pl.BlockSpec((1, m, _NMB), lambda i: (i, 0, 0)),
            pl.BlockSpec((ap,), lambda i: (0,)),
            pl.BlockSpec((ap,), lambda i: (0,)),
            pl.BlockSpec((1, m, 4 * _L), lambda i: (i, 0, 0)),
        ],
        out_shape=[
            jax.ShapeDtypeStruct((b, m, _NMB), jnp.float32),
            jax.ShapeDtypeStruct((ap,), jnp.float32),
            jax.ShapeDtypeStruct((ap,), jnp.float32),
            jax.ShapeDtypeStruct((b, m, 4 * _L), jnp.float32),
        ],
    )(gt_bboxes, anch_t)

    rows = b * m
    sc_topk = pl.kernel(
        _topk_sc_body,
        out_type=jax.ShapeDtypeStruct((rows * _L,), jnp.float32),
        mesh=plsc.VectorSubcoreMesh(
            core_axis_name="c", subcore_axis_name="s",
            num_cores=_NC, num_subcores=_NS,
        ),
        compiler_params=pltpu.CompilerParams(
            needs_layout_passes=False, use_tc_tiling_on_sc=False,
        ),
        scratch_types=[
            pltpu.VMEM((ap,), jnp.float32),
            pltpu.VMEM((ap,), jnp.float32),
            pltpu.VMEM((ap,), jnp.float32),
            pltpu.VMEM((ap,), jnp.float32),
            pltpu.VMEM((ap,), jnp.float32),
            pltpu.VMEM((ap,), jnp.float32),
            pltpu.VMEM((rows // _NW * _NMB,), jnp.float32),
            pltpu.VMEM((rows // _NW * 4 * _L,), jnp.float32),
            pltpu.VMEM((_NBUFV * _L,), jnp.float32),
            pltpu.VMEM((_NBUFV * _L,), jnp.int32),
            pltpu.VMEM((rows // _NW * _L,), jnp.float32),
            pltpu.VMEM((_L,), jnp.float32),
            pltpu.SMEM((1,), jnp.int32),
        ],
    )
    tv = sc_topk(
        anch_t, acx, acy,
        dmin_all.reshape(rows * _NMB),
        gb.reshape(rows * 4 * _L),
    ).reshape(b, m, _L)

    pos8, neg8 = pl.pallas_call(
        _mask_body,
        grid=(b,),
        in_specs=[
            pl.BlockSpec((1, m, 4), lambda i: (i, 0, 0)),
            pl.BlockSpec((8, ap), lambda i: (0, 0)),
            pl.BlockSpec((1, m, _L), lambda i: (i, 0, 0)),
        ],
        out_specs=[
            pl.BlockSpec((1, m, a), lambda i: (i, 0, 0)),
            pl.BlockSpec((1, m, a), lambda i: (i, 0, 0)),
        ],
        out_shape=[
            jax.ShapeDtypeStruct((b, m, a), jnp.int8),
            jax.ShapeDtypeStruct((b, m, a), jnp.int8),
        ],
    )(gt_bboxes, anch_t, tv)

    assigned_scores = jnp.ones((b, a), jnp.float32)
    return pos8.astype(jnp.bool_), neg8.astype(jnp.bool_), assigned_scores

# --- scband reference (transcript-rebuilt; emitter-appended) ---
"""Pipeline reference for scband-assigner-81853486727719 (READ-ONLY COPY).

The authoritative reference and input builder live on the scoring server;
editing this copy changes nothing except your own understanding.
"""

import jax, jax.numpy as jnp
import numpy as np

IM_H, IM_W = 640, 640
LEVELS = [(80, 80), (40, 40), (20, 20)]
TOPK = 9


def build_anchors():
    anchors = []
    for (m, n) in LEVELS:
        uh = IM_H / m
        uw = IM_W / n
        for j in range(n):
            for i in range(m):
                anchors.append([uw * i, uh * j, uw * (i + 1), uh * (j + 1)])
    return jnp.asarray(np.array(anchors, dtype=np.float32))


def setup_inputs(seed: int = 0):
    key = jax.random.key(seed)
    k1, k2 = jax.random.split(key)
    gt_bboxes = jax.random.uniform(k1, (16, 64, 4), dtype=jnp.float32)
    images = jax.random.normal(k2, (16, 3, 640, 640), dtype=jnp.float32)
    anchors = build_anchors()  # [8400, 4] buffer derived from init args
    return {"gt_bboxes": gt_bboxes, "images": images, "anchors": anchors}


def bbox_center(boxes):
    cx = (boxes[..., 0] + boxes[..., 2]) / 2
    cy = (boxes[..., 1] + boxes[..., 3]) / 2
    return jnp.stack([cx, cy], axis=-1)


def calculate_batch_iou(box1, box2, eps=1e-9):
    box1 = box1[:, :, None, :]
    box2 = box2[:, None, :, :]
    px1y1, px2y2 = box1[..., 0:2], box1[..., 2:4]
    gx1y1, gx2y2 = box2[..., 0:2], box2[..., 2:4]
    x1y1 = jnp.maximum(px1y1, gx1y1)
    x2y2 = jnp.minimum(px2y2, gx2y2)
    overlap = jnp.clip(x2y2 - x1y1, 0, None).prod(-1)
    area1 = jnp.clip(px2y2 - px1y1, 0, None).prod(-1)
    area2 = jnp.clip(gx2y2 - gx1y1, 0, None).prod(-1)
    union = area1 + area2 - overlap + eps
    return overlap / union


def reference(gt_bboxes, images, anchors):
    # iou: [B, M, A]
    iou = calculate_batch_iou(gt_bboxes, anchors[None])
    anchor_centers = bbox_center(anchors)  # [A, 2]

    def per_image(iou_i, gt_i):
        gt_centers = bbox_center(gt_i)  # [M, 2]
        d = jnp.linalg.norm(gt_centers[:, None, :] - anchor_centers[None, :, :], axis=-1)  # [M, A]
        _, topk_idxs = jax.lax.top_k(-d, TOPK)  # k smallest distances
        topk_iou = jnp.take_along_axis(iou_i, topk_idxs, axis=1).reshape(-1)
        mask = (topk_iou > 0).astype(jnp.float32)
        n = jnp.sum(mask)
        mean = jnp.sum(topk_iou * mask) / n
        # torch.std default is unbiased (ddof=1) over the filtered positives
        var = jnp.sum(((topk_iou - mean) ** 2) * mask) / (n - 1.0)
        thr = mean + jnp.sqrt(var)
        return iou_i > thr, iou_i < thr

    batch_positive_mask, batch_negative_mask = jax.vmap(per_image)(iou, gt_bboxes)
    assigned_scores = jnp.ones_like(iou)[:, 0, :]  # pred_bboxes is None
    return batch_positive_mask, batch_negative_mask, assigned_scores

if __name__ == "__main__":
    import jax
    _d = setup_inputs()
    print(jax.jit(kernel)(*tuple(_d.values())))

</pallas_src>

<mosaic_0001>
#map = affine_map<(d0, d1) -> (0, 0)>
#map1 = affine_map<(d0, d1) -> (0)>
module attributes {stable_mosaic.version = 14 : i64} {
  func.func @_topk_sc_body(%arg0: i32, %arg1: i32, %arg2: memref<8x8448xf32, #tpu.memory_space<hbm>>, %arg3: memref<8448xf32, #tpu.memory_space<hbm>>, %arg4: memref<8448xf32, #tpu.memory_space<hbm>>, %arg5: memref<81920xf32, #tpu.memory_space<hbm>>, %arg6: memref<65536xf32, #tpu.memory_space<hbm>>, %arg7: memref<16384xf32, #tpu.memory_space<hbm>>, %arg8: memref<8448xf32, #tpu.memory_space<vmem>>, %arg9: memref<8448xf32, #tpu.memory_space<vmem>>, %arg10: memref<8448xf32, #tpu.memory_space<vmem>>, %arg11: memref<8448xf32, #tpu.memory_space<vmem>>, %arg12: memref<8448xf32, #tpu.memory_space<vmem>>, %arg13: memref<8448xf32, #tpu.memory_space<vmem>>, %arg14: memref<2560xf32, #tpu.memory_space<vmem>>, %arg15: memref<2048xf32, #tpu.memory_space<vmem>>, %arg16: memref<240xf32, #tpu.memory_space<vmem>>, %arg17: memref<240xi32, #tpu.memory_space<vmem>>, %arg18: memref<512xf32, #tpu.memory_space<vmem>>, %arg19: memref<16xf32, #tpu.memory_space<vmem>>, %arg20: memref<1xi32, #tpu.memory_space<smem>>) attributes {dimension_semantics = [#tpu.dimension_semantics<core_parallel>, #tpu.dimension_semantics<subcore_parallel>], iteration_bounds = array<i64: 2, 16>, scalar_prefetch = 0 : i64, scratch_operands = 13 : i64, tpu.core_type = #tpu.core_type<sc_vector_subcore>, window_params = [{transform_indices = #map}, {transform_indices = #map1}, {transform_indices = #map1}, {transform_indices = #map1}, {transform_indices = #map1}, {transform_indices = #map1}]} {
    %mul3A = arith.constant 2 : i32
    %mul3A_0 = arith.muli %arg1, %mul3A : i32
    %add3A = arith.addi %mul3A_0, %arg0 : i32
    %mul3A_1 = arith.constant 32 : i32
    %mul3A_2 = arith.muli %add3A, %mul3A_1 : i32
    %iota3A = tpu.iota {dimensions = array<i32: 0>} : vector<16xi32>
    %run_scoped3A = arith.constant 0 : i32
    "tpu.region"() ({
      %run_scoped3A_22 = tpu.sem_alloc : memref<!tpu.dma_semaphore, #tpu.memory_space<semaphore_mem>>
      %dma_start3A = arith.constant 0 : i32
      %dma_start3A_23 = tpu.memref_slice %arg2[%run_scoped3A, %dma_start3A] : memref<8x8448xf32, #tpu.memory_space<hbm>> -> memref<1x8448xf32, #tpu.memory_space<hbm>>
      %dma_start3A_24 = tpu.memref_squeeze %dma_start3A_23 : memref<1x8448xf32, #tpu.memory_space<hbm>> -> memref<8448xf32, #tpu.memory_space<hbm>>
      %dma_start3A_25 = arith.constant 0 : i32
      %dma_start3A_26 = tpu.memref_slice %arg2[%run_scoped3A, %dma_start3A_25] : memref<8x8448xf32, #tpu.memory_space<hbm>> -> memref<1x8448xf32, #tpu.memory_space<hbm>>
      %dma_start3A_27 = tpu.memref_squeeze %dma_start3A_26 : memref<1x8448xf32, #tpu.memory_space<hbm>> -> memref<8448xf32, #tpu.memory_space<hbm>>
      tpu.enqueue_dma source(%dma_start3A_27 : memref<8448xf32, #tpu.memory_space<hbm>>) target(%arg8 : memref<8448xf32, #tpu.memory_space<vmem>>) target_semaphore(%run_scoped3A_22 : memref<!tpu.dma_semaphore, #tpu.memory_space<semaphore_mem>>)
      %dma_wait3A = arith.constant 0 : i32
      %dma_wait3A_28 = tpu.memref_slice %arg2[%run_scoped3A, %dma_wait3A] : memref<8x8448xf32, #tpu.memory_space<hbm>> -> memref<1x8448xf32, #tpu.memory_space<hbm>>
      %dma_wait3A_29 = tpu.memref_squeeze %dma_wait3A_28 : memref<1x8448xf32, #tpu.memory_space<hbm>> -> memref<8448xf32, #tpu.memory_space<hbm>>
      %dma_wait3A_30 = arith.constant 0 : i32
      %dma_wait3A_31 = tpu.memref_slice %arg2[%run_scoped3A, %dma_wait3A_30] : memref<8x8448xf32, #tpu.memory_space<hbm>> -> memref<1x8448xf32, #tpu.memory_space<hbm>>
      %dma_wait3A_32 = tpu.memref_squeeze %dma_wait3A_31 : memref<1x8448xf32, #tpu.memory_space<hbm>> -> memref<8448xf32, #tpu.memory_space<hbm>>
      tpu.wait_dma2 semaphore(%run_scoped3A_22 : memref<!tpu.dma_semaphore, #tpu.memory_space<semaphore_mem>>) src(%dma_wait3A_32 : memref<8448xf32, #tpu.memory_space<hbm>>) dst(%arg8 : memref<8448xf32, #tpu.memory_space<vmem>>)
      tpu.yield
    }) : () -> ()
    %run_scoped3A_3 = arith.constant 1 : i32
    "tpu.region"() ({
      %run_scoped3A_22 = tpu.sem_alloc : memref<!tpu.dma_semaphore, #tpu.memory_space<semaphore_mem>>
      %dma_start3A = arith.constant 0 : i32
      %dma_start3A_23 = tpu.memref_slice %arg2[%run_scoped3A_3, %dma_start3A] : memref<8x8448xf32, #tpu.memory_space<hbm>> -> memref<1x8448xf32, #tpu.memory_space<hbm>>
      %dma_start3A_24 = tpu.memref_squeeze %dma_start3A_23 : memref<1x8448xf32, #tpu.memory_space<hbm>> -> memref<8448xf32, #tpu.memory_space<hbm>>
      %dma_start3A_25 = arith.constant 0 : i32
      %dma_start3A_26 = tpu.memref_slice %arg2[%run_scoped3A_3, %dma_start3A_25] : memref<8x8448xf32, #tpu.memory_space<hbm>> -> memref<1x8448xf32, #tpu.memory_space<hbm>>
      %dma_start3A_27 = tpu.memref_squeeze %dma_start3A_26 : memref<1x8448xf32, #tpu.memory_space<hbm>> -> memref<8448xf32, #tpu.memory_space<hbm>>
      tpu.enqueue_dma source(%dma_start3A_27 : memref<8448xf32, #tpu.memory_space<hbm>>) target(%arg9 : memref<8448xf32, #tpu.memory_space<vmem>>) target_semaphore(%run_scoped3A_22 : memref<!tpu.dma_semaphore, #tpu.memory_space<semaphore_mem>>)
      %dma_wait3A = arith.constant 0 : i32
      %dma_wait3A_28 = tpu.memref_slice %arg2[%run_scoped3A_3, %dma_wait3A] : memref<8x8448xf32, #tpu.memory_space<hbm>> -> memref<1x8448xf32, #tpu.memory_space<hbm>>
      %dma_wait3A_29 = tpu.memref_squeeze %dma_wait3A_28 : memref<1x8448xf32, #tpu.memory_space<hbm>> -> memref<8448xf32, #tpu.memory_space<hbm>>
      %dma_wait3A_30 = arith.constant 0 : i32
      %dma_wait3A_31 = tpu.memref_slice %arg2[%run_scoped3A_3, %dma_wait3A_30] : memref<8x8448xf32, #tpu.memory_space<hbm>> -> memref<1x8448xf32, #tpu.memory_space<hbm>>
      %dma_wait3A_32 = tpu.memref_squeeze %dma_wait3A_31 : memref<1x8448xf32, #tpu.memory_space<hbm>> -> memref<8448xf32, #tpu.memory_space<hbm>>
      tpu.wait_dma2 semaphore(%run_scoped3A_22 : memref<!tpu.dma_semaphore, #tpu.memory_space<semaphore_mem>>) src(%dma_wait3A_32 : memref<8448xf32, #tpu.memory_space<hbm>>) dst(%arg9 : memref<8448xf32, #tpu.memory_space<vmem>>)
      tpu.yield
    }) : () -> ()
    %run_scoped3A_4 = arith.constant 2 : i32
    "tpu.region"() ({
      %run_scoped3A_22 = tpu.sem_alloc : memref<!tpu.dma_semaphore, #tpu.memory_space<semaphore_mem>>
      %dma_start3A = arith.constant 0 : i32
      %dma_start3A_23 = tpu.memref_slice %arg2[%run_scoped3A_4, %dma_start3A] : memref<8x8448xf32, #tpu.memory_space<hbm>> -> memref<1x8448xf32, #tpu.memory_space<hbm>>
      %dma_start3A_24 = tpu.memref_squeeze %dma_start3A_23 : memref<1x8448xf32, #tpu.memory_space<hbm>> -> memref<8448xf32, #tpu.memory_space<hbm>>
      %dma_start3A_25 = arith.constant 0 : i32
      %dma_start3A_26 = tpu.memref_slice %arg2[%run_scoped3A_4, %dma_start3A_25] : memref<8x8448xf32, #tpu.memory_space<hbm>> -> memref<1x8448xf32, #tpu.memory_space<hbm>>
      %dma_start3A_27 = tpu.memref_squeeze %dma_start3A_26 : memref<1x8448xf32, #tpu.memory_space<hbm>> -> memref<8448xf32, #tpu.memory_space<hbm>>
      tpu.enqueue_dma source(%dma_start3A_27 : memref<8448xf32, #tpu.memory_space<hbm>>) target(%arg10 : memref<8448xf32, #tpu.memory_space<vmem>>) target_semaphore(%run_scoped3A_22 : memref<!tpu.dma_semaphore, #tpu.memory_space<semaphore_mem>>)
      %dma_wait3A = arith.constant 0 : i32
      %dma_wait3A_28 = tpu.memref_slice %arg2[%run_scoped3A_4, %dma_wait3A] : memref<8x8448xf32, #tpu.memory_space<hbm>> -> memref<1x8448xf32, #tpu.memory_space<hbm>>
      %dma_wait3A_29 = tpu.memref_squeeze %dma_wait3A_28 : memref<1x8448xf32, #tpu.memory_space<hbm>> -> memref<8448xf32, #tpu.memory_space<hbm>>
      %dma_wait3A_30 = arith.constant 0 : i32
      %dma_wait3A_31 = tpu.memref_slice %arg2[%run_scoped3A_4, %dma_wait3A_30] : memref<8x8448xf32, #tpu.memory_space<hbm>> -> memref<1x8448xf32, #tpu.memory_space<hbm>>
      %dma_wait3A_32 = tpu.memref_squeeze %dma_wait3A_31 : memref<1x8448xf32, #tpu.memory_space<hbm>> -> memref<8448xf32, #tpu.memory_space<hbm>>
      tpu.wait_dma2 semaphore(%run_scoped3A_22 : memref<!tpu.dma_semaphore, #tpu.memory_space<semaphore_mem>>) src(%dma_wait3A_32 : memref<8448xf32, #tpu.memory_space<hbm>>) dst(%arg10 : memref<8448xf32, #tpu.memory_space<vmem>>)
      tpu.yield
    }) : () -> ()
    %run_scoped3A_5 = arith.constant 3 : i32
    "tpu.region"() ({
      %run_scoped3A_22 = tpu.sem_alloc : memref<!tpu.dma_semaphore, #tpu.memory_space<semaphore_mem>>
      %dma_start3A = arith.constant 0 : i32
      %dma_start3A_23 = tpu.memref_slice %arg2[%run_scoped3A_5, %dma_start3A] : memref<8x8448xf32, #tpu.memory_space<hbm>> -> memref<1x8448xf32, #tpu.memory_space<hbm>>
      %dma_start3A_24 = tpu.memref_squeeze %dma_start3A_23 : memref<1x8448xf32, #tpu.memory_space<hbm>> -> memref<8448xf32, #tpu.memory_space<hbm>>
      %dma_start3A_25 = arith.constant 0 : i32
      %dma_start3A_26 = tpu.memref_slice %arg2[%run_scoped3A_5, %dma_start3A_25] : memref<8x8448xf32, #tpu.memory_space<hbm>> -> memref<1x8448xf32, #tpu.memory_space<hbm>>
      %dma_start3A_27 = tpu.memref_squeeze %dma_start3A_26 : memref<1x8448xf32, #tpu.memory_space<hbm>> -> memref<8448xf32, #tpu.memory_space<hbm>>
      tpu.enqueue_dma source(%dma_start3A_27 : memref<8448xf32, #tpu.memory_space<hbm>>) target(%arg11 : memref<8448xf32, #tpu.memory_space<vmem>>) target_semaphore(%run_scoped3A_22 : memref<!tpu.dma_semaphore, #tpu.memory_space<semaphore_mem>>)
      %dma_wait3A = arith.constant 0 : i32
      %dma_wait3A_28 = tpu.memref_slice %arg2[%run_scoped3A_5, %dma_wait3A] : memref<8x8448xf32, #tpu.memory_space<hbm>> -> memref<1x8448xf32, #tpu.memory_space<hbm>>
      %dma_wait3A_29 = tpu.memref_squeeze %dma_wait3A_28 : memref<1x8448xf32, #tpu.memory_space<hbm>> -> memref<8448xf32, #tpu.memory_space<hbm>>
      %dma_wait3A_30 = arith.constant 0 : i32
      %dma_wait3A_31 = tpu.memref_slice %arg2[%run_scoped3A_5, %dma_wait3A_30] : memref<8x8448xf32, #tpu.memory_space<hbm>> -> memref<1x8448xf32, #tpu.memory_space<hbm>>
      %dma_wait3A_32 = tpu.memref_squeeze %dma_wait3A_31 : memref<1x8448xf32, #tpu.memory_space<hbm>> -> memref<8448xf32, #tpu.memory_space<hbm>>
      tpu.wait_dma2 semaphore(%run_scoped3A_22 : memref<!tpu.dma_semaphore, #tpu.memory_space<semaphore_mem>>) src(%dma_wait3A_32 : memref<8448xf32, #tpu.memory_space<hbm>>) dst(%arg11 : memref<8448xf32, #tpu.memory_space<vmem>>)
      tpu.yield
    }) : () -> ()
    "tpu.region"() ({
      %run_scoped3A_22 = tpu.sem_alloc : memref<!tpu.dma_semaphore, #tpu.memory_space<semaphore_mem>>
      tpu.enqueue_dma source(%arg3 : memref<8448xf32, #tpu.memory_space<hbm>>) target(%arg12 : memref<8448xf32, #tpu.memory_space<vmem>>) target_semaphore(%run_scoped3A_22 : memref<!tpu.dma_semaphore, #tpu.memory_space<semaphore_mem>>)
      tpu.wait_dma2 semaphore(%run_scoped3A_22 : memref<!tpu.dma_semaphore, #tpu.memory_space<semaphore_mem>>) src(%arg3 : memref<8448xf32, #tpu.memory_space<hbm>>) dst(%arg12 : memref<8448xf32, #tpu.memory_space<vmem>>)
      tpu.yield
    }) : () -> ()
    "tpu.region"() ({
      %run_scoped3A_22 = tpu.sem_alloc : memref<!tpu.dma_semaphore, #tpu.memory_space<semaphore_mem>>
      tpu.enqueue_dma source(%arg4 : memref<8448xf32, #tpu.memory_space<hbm>>) target(%arg13 : memref<8448xf32, #tpu.memory_space<vmem>>) target_semaphore(%run_scoped3A_22 : memref<!tpu.dma_semaphore, #tpu.memory_space<semaphore_mem>>)
      tpu.wait_dma2 semaphore(%run_scoped3A_22 : memref<!tpu.dma_semaphore, #tpu.memory_space<semaphore_mem>>) src(%arg4 : memref<8448xf32, #tpu.memory_space<hbm>>) dst(%arg13 : memref<8448xf32, #tpu.memory_space<vmem>>)
      tpu.yield
    }) : () -> ()
    %mul3A_6 = arith.constant 80 : i32
    %mul3A_7 = arith.muli %mul3A_2, %mul3A_6 : i32
    %multiple_of3A = tpu.assume_multiple %mul3A_7, 16 : i32
    "tpu.region"() ({
      %run_scoped3A_22 = tpu.sem_alloc : memref<!tpu.dma_semaphore, #tpu.memory_space<semaphore_mem>>
      %dma_start3A = tpu.memref_slice %arg5[%multiple_of3A] : memref<81920xf32, #tpu.memory_space<hbm>> -> memref<2560xf32, #tpu.memory_space<hbm>>
      %dma_start3A_23 = tpu.memref_slice %arg5[%multiple_of3A] : memref<81920xf32, #tpu.memory_space<hbm>> -> memref<2560xf32, #tpu.memory_space<hbm>>
      tpu.enqueue_dma source(%dma_start3A_23 : memref<2560xf32, #tpu.memory_space<hbm>>) target(%arg14 : memref<2560xf32, #tpu.memory_space<vmem>>) target_semaphore(%run_scoped3A_22 : memref<!tpu.dma_semaphore, #tpu.memory_space<semaphore_mem>>)
      %dma_wait3A = tpu.memref_slice %arg5[%multiple_of3A] : memref<81920xf32, #tpu.memory_space<hbm>> -> memref<2560xf32, #tpu.memory_space<hbm>>
      %dma_wait3A_24 = tpu.memref_slice %arg5[%multiple_of3A] : memref<81920xf32, #tpu.memory_space<hbm>> -> memref<2560xf32, #tpu.memory_space<hbm>>
      tpu.wait_dma2 semaphore(%run_scoped3A_22 : memref<!tpu.dma_semaphore, #tpu.memory_space<semaphore_mem>>) src(%dma_wait3A_24 : memref<2560xf32, #tpu.memory_space<hbm>>) dst(%arg14 : memref<2560xf32, #tpu.memory_space<vmem>>)
      tpu.yield
    }) : () -> ()
    %mul3A_8 = arith.constant 4 : i32
    %mul3A_9 = arith.muli %mul3A_2, %mul3A_8 : i32
    %mul3A_10 = arith.constant 16 : i32
    %mul3A_11 = arith.muli %mul3A_9, %mul3A_10 : i32
    %multiple_of3A_12 = tpu.assume_multiple %mul3A_11, 16 : i32
    "tpu.region"() ({
      %run_scoped3A_22 = tpu.sem_alloc : memref<!tpu.dma_semaphore, #tpu.memory_space<semaphore_mem>>
      %dma_start3A = tpu.memref_slice %arg6[%multiple_of3A_12] : memref<65536xf32, #tpu.memory_space<hbm>> -> memref<2048xf32, #tpu.memory_space<hbm>>
      %dma_start3A_23 = tpu.memref_slice %arg6[%multiple_of3A_12] : memref<65536xf32, #tpu.memory_space<hbm>> -> memref<2048xf32, #tpu.memory_space<hbm>>
      tpu.enqueue_dma source(%dma_start3A_23 : memref<2048xf32, #tpu.memory_space<hbm>>) target(%arg15 : memref<2048xf32, #tpu.memory_space<vmem>>) target_semaphore(%run_scoped3A_22 : memref<!tpu.dma_semaphore, #tpu.memory_space<semaphore_mem>>)
      %dma_wait3A = tpu.memref_slice %arg6[%multiple_of3A_12] : memref<65536xf32, #tpu.memory_space<hbm>> -> memref<2048xf32, #tpu.memory_space<hbm>>
      %dma_wait3A_24 = tpu.memref_slice %arg6[%multiple_of3A_12] : memref<65536xf32, #tpu.memory_space<hbm>> -> memref<2048xf32, #tpu.memory_space<hbm>>
      tpu.wait_dma2 semaphore(%run_scoped3A_22 : memref<!tpu.dma_semaphore, #tpu.memory_space<semaphore_mem>>) src(%dma_wait3A_24 : memref<2048xf32, #tpu.memory_space<hbm>>) dst(%arg15 : memref<2048xf32, #tpu.memory_space<vmem>>)
      tpu.yield
    }) : () -> ()
    %scan3A = arith.constant 0 : i32
    %scan3A_13 = arith.constant 0 : i32
    %scan3A_14 = arith.constant 32 : i32
    %scan3A_15 = arith.addi %scan3A_13, %scan3A_14 : i32
    %scan3A_16 = arith.constant 1 : i32
    %scan3A_17 = scf.for %scan3A_22 = %scan3A_13 to %scan3A_15 step %scan3A_16 iter_args(%scan3A_23 = %scan3A) -> (i32)  : i32 {
      %mul3A_24 = arith.constant 4 : i32
      %mul3A_25 = arith.muli %scan3A_22, %mul3A_24 : i32
      %mul3A_26 = arith.constant 16 : i32
      %mul3A_27 = arith.muli %mul3A_25, %mul3A_26 : i32
      %multiple_of3A_28 = tpu.assume_multiple %mul3A_27, 16 : i32
      %get3A = arith.index_cast %multiple_of3A_28 : i32 to index
      %get3A_29 = tpu.vector_load %arg15[%get3A] {strides = array<i32>} : memref<2048xf32, #tpu.memory_space<vmem>>, vector<16xf32>,
      %add3A_30 = arith.constant 16 : i32
      %add3A_31 = arith.addi %multiple_of3A_28, %add3A_30 : i32
      %get3A_32 = arith.index_cast %add3A_31 : i32 to index
      %get3A_33 = tpu.vector_load %arg15[%get3A_32] {strides = array<i32>} : memref<2048xf32, #tpu.memory_space<vmem>>, vector<16xf32>,
      %add3A_34 = arith.constant 32 : i32
      %add3A_35 = arith.addi %multiple_of3A_28, %add3A_34 : i32
      %get3A_36 = arith.index_cast %add3A_35 : i32 to index
      %get3A_37 = tpu.vector_load %arg15[%get3A_36] {strides = array<i32>} : memref<2048xf32, #tpu.memory_space<vmem>>, vector<16xf32>,
      %add3A_38 = arith.constant 48 : i32
      %add3A_39 = arith.addi %multiple_of3A_28, %add3A_38 : i32
      %get3A_40 = arith.index_cast %add3A_39 : i32 to index
      %get3A_41 = tpu.vector_load %arg15[%get3A_40] {strides = array<i32>} : memref<2048xf32, #tpu.memory_space<vmem>>, vector<16xf32>,
      %add3A_42 = arith.addf %get3A_29, %get3A_37 : vector<16xf32>
      %div3A = arith.constant 2.000000e+00 : f32
      %div3A_43 = vector.broadcast %div3A : f32 to vector<16xf32>
      %div3A_44 = arith.divf %add3A_42, %div3A_43 : vector<16xf32>
      %add3A_45 = arith.addf %get3A_33, %get3A_41 : vector<16xf32>
      %div3A_46 = arith.constant 2.000000e+00 : f32
      %div3A_47 = vector.broadcast %div3A_46 : f32 to vector<16xf32>
      %div3A_48 = arith.divf %add3A_45, %div3A_47 : vector<16xf32>
      %lt3A = arith.constant 8 : i32
      %lt3A_49 = vector.broadcast %lt3A : i32 to vector<16xi32>
      %lt3A_50 = arith.cmpi slt, %iota3A, %lt3A_49 : vector<16xi32>
      %add3A_51 = arith.constant 72 : i32
      %add3A_52 = vector.broadcast %add3A_51 : i32 to vector<16xi32>
      %add3A_53 = arith.addi %iota3A, %add3A_52 : vector<16xi32>
      %select_n3A = arith.select %lt3A_50, %iota3A, %add3A_53 : vector<16xi1>, vector<16xi32>
      %gather3A = tpu.vector_load_idx %arg12[%select_n3A] : memref<8448xf32, #tpu.memory_space<vmem>>[vector<16xi32>], vector<16xf32>,
      %gather3A_54 = tpu.vector_load_idx %arg13[%select_n3A] : memref<8448xf32, #tpu.memory_space<vmem>>[vector<16xi32>], vector<16xf32>,
      %sub3A = arith.subf %div3A_44, %gather3A : vector<16xf32>
      %sub3A_55 = arith.subf %div3A_48, %gather3A_54 : vector<16xf32>
      %mul3A_56 = arith.mulf %sub3A, %sub3A : vector<16xf32>
      %mul3A_57 = arith.mulf %sub3A_55, %sub3A_55 : vector<16xf32>
      %add3A_58 = arith.addf %mul3A_56, %mul3A_57 : vector<16xf32>
      %masked_sort3A = arith.constant dense<true> : vector<16xi1>
      %masked_sort3A_59, %masked_sort3A_60, %masked_sort3A_61 = tpu.sort %add3A_58, %select_n3A masked %masked_sort3A : (vector<16xf32>, vector<16xi32>, vector<16xi1>) -> (vector<16xi1>, vector<16xf32>, vector<16xi32>)
      %swap3A = arith.constant 0 : index
      %swap3A_62 = tpu.vector_load %arg16[%swap3A] {strides = array<i32>} : memref<240xf32, #tpu.memory_space<vmem>>, vector<16xf32>,
      tpu.vector_store %arg16[%swap3A], %masked_sort3A_60 {strides = array<i32>} : memref<240xf32, #tpu.memory_space<vmem>>, vector<16xf32>,
      %swap3A_63 = arith.constant 0 : index
      %swap3A_64 = tpu.vector_load %arg17[%swap3A_63] {strides = array<i32>} : memref<240xi32, #tpu.memory_space<vmem>>, vector<16xi32>,
      tpu.vector_store %arg17[%swap3A_63], %masked_sort3A_61 {strides = array<i32>} : memref<240xi32, #tpu.memory_space<vmem>>, vector<16xi32>,
      %swap3A_65 = arith.constant 16 : i32
      %swap3A_66 = arith.constant 0 : i32
      %swap3A_67 = arith.index_cast %swap3A_66 : i32 to index
      %swap3A_68 = memref.load %arg20[%swap3A_67] : memref<1xi32, #tpu.memory_space<smem>>
      memref.store %swap3A_65, %arg20[%swap3A_67] : memref<1xi32, #tpu.memory_space<smem>>
      %slice3A = vector.extract_strided_slice %masked_sort3A_60 {offsets = [8], sizes = [1], strides = [1]} : vector<16xf32> to vector<1xf32>
      %squeeze3A = vector.extract %slice3A[0] : f32 from vector<1xf32>
      %broadcast_in_dim3A = vector.broadcast %squeeze3A : f32 to vector<16xf32>
      %swap3A_69 = arith.constant 0 : index
      %swap3A_70 = tpu.vector_load %arg19[%swap3A_69] {strides = array<i32>} : memref<16xf32, #tpu.memory_space<vmem>>, vector<16xf32>,
      tpu.vector_store %arg19[%swap3A_69], %broadcast_in_dim3A {strides = array<i32>} : memref<16xf32, #tpu.memory_space<vmem>>, vector<16xf32>,
      %mul3A_71 = arith.constant 80 : i32
      %mul3A_72 = arith.muli %scan3A_22, %mul3A_71 : i32
      %scan3A_73 = arith.constant 0 : i32
      %scan3A_74 = arith.constant 0 : i32
      %scan3A_75 = arith.constant 5 : i32
      %scan3A_76 = arith.addi %scan3A_74, %scan3A_75 : i32
      %scan3A_77 = arith.constant 1 : i32
      %scan3A_78 = scf.for %scan3A_171 = %scan3A_74 to %scan3A_76 step %scan3A_77 iter_args(%scan3A_172 = %scan3A_73) -> (i32)  : i32 {
        %mul3A_173 = arith.constant 16 : i32
        %mul3A_174 = arith.muli %scan3A_171, %mul3A_173 : i32
        %add3A_175 = arith.addi %mul3A_72, %mul3A_174 : i32
        %multiple_of3A_176 = tpu.assume_multiple %add3A_175, 16 : i32
        %get3A_177 = arith.index_cast %multiple_of3A_176 : i32 to index
        %get3A_178 = tpu.vector_load %arg14[%get3A_177] {strides = array<i32>} : memref<2560xf32, #tpu.memory_space<vmem>>, vector<16xf32>,
        %get3A_179 = arith.constant 0 : index
        %get3A_180 = tpu.vector_load %arg19[%get3A_179] {strides = array<i32>} : memref<16xf32, #tpu.memory_space<vmem>>, vector<16xf32>,
        %lt3A_181 = arith.cmpf olt, %get3A_178, %get3A_180 : vector<16xf32>
        %convert_element_type3A = arith.extui %lt3A_181 : vector<16xi1> to vector<16xi32>
        %reduce_sum3A = arith.constant true
        %reduce_sum3A_182 = vector.broadcast %reduce_sum3A : i1 to vector<16xi1>
        %reduce_sum3A_183 = tpu.scan <sum>, %convert_element_type3A masked %reduce_sum3A_182 : vector<16xi32>, vector<16xi1> -> vector<16xi32>
        %reduce_sum3A_184 = vector.extract %reduce_sum3A_183[15] : i32 from vector<16xi32>
        %gt3A = arith.constant 0 : i32
        %gt3A_185 = arith.cmpi sgt, %reduce_sum3A_184, %gt3A : i32
        %convert_element_type3A_186 = arith.extui %gt3A_185 : i1 to i32
        %cond3A = arith.constant 0 : i32
        %cond3A_187 = arith.cmpi ne, %convert_element_type3A_186, %cond3A : i32
        scf.if %cond3A_187 {
          %convert_element_type3A_189 = arith.extui %lt3A_181 : vector<16xi1> to vector<16xi32>
          %while3A_190 = scf.while (%while3A_191 = %convert_element_type3A_189) : (vector<16xi32>) -> vector<16xi32> {
            %reduce_sum3A_192 = arith.constant true
            %reduce_sum3A_193 = vector.broadcast %reduce_sum3A_192 : i1 to vector<16xi1>
            %reduce_sum3A_194 = tpu.scan <sum>, %while3A_191 masked %reduce_sum3A_193 : vector<16xi32>, vector<16xi1> -> vector<16xi32>
            %reduce_sum3A_195 = vector.extract %reduce_sum3A_194[15] : i32 from vector<16xi32>
            %gt3A_196 = arith.constant 0 : i32
            %gt3A_197 = arith.cmpi sgt, %reduce_sum3A_195, %gt3A_196 : i32
            scf.condition(%gt3A_197) %while3A_191 : vector<16xi32>
          } do {
          ^bb0(%while3A_191: vector<16xi32>):
            %gt3A_192 = arith.constant 0 : i32
            %gt3A_193 = vector.broadcast %gt3A_192 : i32 to vector<16xi32>
            %gt3A_194 = arith.cmpi sgt, %while3A_191, %gt3A_193 : vector<16xi32>
            %all_reduce_ffs3A = tpu.all_reduce %gt3A_194 {dim = 0 : i64, kind = #tpu.reduction_kind<find_first_set>} : vector<16xi1> -> vector<16xi32>
            %slice3A_195 = vector.extract_strided_slice %all_reduce_ffs3A {offsets = [0], sizes = [1], strides = [1]} : vector<16xi32> to vector<1xi32>
            %squeeze3A_196 = vector.extract %slice3A_195[0] : i32 from vector<1xi32>
            %mul3A_197 = arith.constant 16 : i32
            %mul3A_198 = arith.muli %scan3A_171, %mul3A_197 : i32
            %add3A_199 = arith.addi %mul3A_198, %squeeze3A_196 : i32
            %mul3A_200 = arith.constant 128 : i32
            %mul3A_201 = arith.muli %add3A_199, %mul3A_200 : i32
            %get3A_202 = arith.constant 0 : index
            %get3A_203 = tpu.vector_load %arg19[%get3A_202] {strides = array<i32>} : memref<16xf32, #tpu.memory_space<vmem>>, vector<16xf32>,
            %add3A_204 = arith.constant 0 : i32
            %add3A_205 = arith.addi %mul3A_201, %add3A_204 : i32
            %multiple_of3A_206 = tpu.assume_multiple %add3A_205, 16 : i32
            %get3A_207 = arith.index_cast %multiple_of3A_206 : i32 to index
            %get3A_208 = tpu.vector_load %arg12[%get3A_207] {strides = array<i32>} : memref<8448xf32, #tpu.memory_space<vmem>>, vector<16xf32>,
            %get3A_209 = arith.index_cast %multiple_of3A_206 : i32 to index
            %get3A_210 = tpu.vector_load %arg13[%get3A_209] {strides = array<i32>} : memref<8448xf32, #tpu.memory_space<vmem>>, vector<16xf32>,
            %sub3A_211 = arith.subf %div3A_44, %get3A_208 : vector<16xf32>
            %sub3A_212 = arith.subf %div3A_48, %get3A_210 : vector<16xf32>
            %mul3A_213 = arith.mulf %sub3A_211, %sub3A_211 : vector<16xf32>
            %mul3A_214 = arith.mulf %sub3A_212, %sub3A_212 : vector<16xf32>
            %add3A_215 = arith.addf %mul3A_213, %mul3A_214 : vector<16xf32>
            %add3A_216 = arith.constant 0 : i32
            %add3A_217 = arith.addi %mul3A_201, %add3A_216 : i32
            %add3A_218 = vector.broadcast %add3A_217 : i32 to vector<16xi32>
            %add3A_219 = arith.addi %add3A_218, %iota3A : vector<16xi32>
            %ge3A = arith.constant 8 : i32
            %ge3A_220 = vector.broadcast %ge3A : i32 to vector<16xi32>
            %ge3A_221 = arith.cmpi sge, %add3A_219, %ge3A_220 : vector<16xi32>
            %lt3A_222 = arith.constant 80 : i32
            %lt3A_223 = vector.broadcast %lt3A_222 : i32 to vector<16xi32>
            %lt3A_224 = arith.cmpi slt, %add3A_219, %lt3A_223 : vector<16xi32>
            %ge3A_225 = arith.constant 88 : i32
            %ge3A_226 = vector.broadcast %ge3A_225 : i32 to vector<16xi32>
            %ge3A_227 = arith.cmpi sge, %add3A_219, %ge3A_226 : vector<16xi32>
            %or3A = arith.ori %lt3A_224, %ge3A_227 : vector<16xi1>
            %and3A_228 = arith.andi %ge3A_221, %or3A : vector<16xi1>
            %lt3A_229 = arith.cmpf olt, %add3A_215, %get3A_203 : vector<16xf32>
            %and3A_230 = arith.andi %lt3A_229, %and3A_228 : vector<16xi1>
            %convert_element_type3A_231 = arith.extui %and3A_230 : vector<16xi1> to vector<16xi32>
            %cumsum3A = arith.constant true
            %cumsum3A_232 = vector.broadcast %cumsum3A : i1 to vector<16xi1>
            %cumsum3A_233 = tpu.scan <sum>, %convert_element_type3A_231 masked %cumsum3A_232 : vector<16xi32>, vector<16xi1> -> vector<16xi32>
            %add3A_234 = arith.constant 16 : i32
            %add3A_235 = arith.addi %mul3A_201, %add3A_234 : i32
            %multiple_of3A_236 = tpu.assume_multiple %add3A_235, 16 : i32
            %get3A_237 = arith.index_cast %multiple_of3A_236 : i32 to index
            %get3A_238 = tpu.vector_load %arg12[%get3A_237] {strides = array<i32>} : memref<8448xf32, #tpu.memory_space<vmem>>, vector<16xf32>,
            %get3A_239 = arith.index_cast %multiple_of3A_236 : i32 to index
            %get3A_240 = tpu.vector_load %arg13[%get3A_239] {strides = array<i32>} : memref<8448xf32, #tpu.memory_space<vmem>>, vector<16xf32>,
            %sub3A_241 = arith.subf %div3A_44, %get3A_238 : vector<16xf32>
            %sub3A_242 = arith.subf %div3A_48, %get3A_240 : vector<16xf32>
            %mul3A_243 = arith.mulf %sub3A_241, %sub3A_241 : vector<16xf32>
            %mul3A_244 = arith.mulf %sub3A_242, %sub3A_242 : vector<16xf32>
            %add3A_245 = arith.addf %mul3A_243, %mul3A_244 : vector<16xf32>
            %add3A_246 = arith.constant 16 : i32
            %add3A_247 = arith.addi %mul3A_201, %add3A_246 : i32
            %add3A_248 = vector.broadcast %add3A_247 : i32 to vector<16xi32>
            %add3A_249 = arith.addi %add3A_248, %iota3A : vector<16xi32>
            %ge3A_250 = arith.constant 8 : i32
            %ge3A_251 = vector.broadcast %ge3A_250 : i32 to vector<16xi32>
            %ge3A_252 = arith.cmpi sge, %add3A_249, %ge3A_251 : vector<16xi32>
            %lt3A_253 = arith.constant 80 : i32
            %lt3A_254 = vector.broadcast %lt3A_253 : i32 to vector<16xi32>
            %lt3A_255 = arith.cmpi slt, %add3A_249, %lt3A_254 : vector<16xi32>
            %ge3A_256 = arith.constant 88 : i32
            %ge3A_257 = vector.broadcast %ge3A_256 : i32 to vector<16xi32>
            %ge3A_258 = arith.cmpi sge, %add3A_249, %ge3A_257 : vector<16xi32>
            %or3A_259 = arith.ori %lt3A_255, %ge3A_258 : vector<16xi1>
            %and3A_260 = arith.andi %ge3A_252, %or3A_259 : vector<16xi1>
            %lt3A_261 = arith.cmpf olt, %add3A_245, %get3A_203 : vector<16xf32>
            %and3A_262 = arith.andi %lt3A_261, %and3A_260 : vector<16xi1>
            %convert_element_type3A_263 = arith.extui %and3A_262 : vector<16xi1> to vector<16xi32>
            %cumsum3A_264 = arith.constant true
            %cumsum3A_265 = vector.broadcast %cumsum3A_264 : i1 to vector<16xi1>
            %cumsum3A_266 = tpu.scan <sum>, %convert_element_type3A_263 masked %cumsum3A_265 : vector<16xi32>, vector<16xi1> -> vector<16xi32>
            %add3A_267 = arith.constant 32 : i32
            %add3A_268 = arith.addi %mul3A_201, %add3A_267 : i32
            %multiple_of3A_269 = tpu.assume_multiple %add3A_268, 16 : i32
            %get3A_270 = arith.index_cast %multiple_of3A_269 : i32 to index
            %get3A_271 = tpu.vector_load %arg12[%get3A_270] {strides = array<i32>} : memref<8448xf32, #tpu.memory_space<vmem>>, vector<16xf32>,
            %get3A_272 = arith.index_cast %multiple_of3A_269 : i32 to index
            %get3A_273 = tpu.vector_load %arg13[%get3A_272] {strides = array<i32>} : memref<8448xf32, #tpu.memory_space<vmem>>, vector<16xf32>,
            %sub3A_274 = arith.subf %div3A_44, %get3A_271 : vector<16xf32>
            %sub3A_275 = arith.subf %div3A_48, %get3A_273 : vector<16xf32>
            %mul3A_276 = arith.mulf %sub3A_274, %sub3A_274 : vector<16xf32>
            %mul3A_277 = arith.mulf %sub3A_275, %sub3A_275 : vector<16xf32>
            %add3A_278 = arith.addf %mul3A_276, %mul3A_277 : vector<16xf32>
            %add3A_279 = arith.constant 32 : i32
            %add3A_280 = arith.addi %mul3A_201, %add3A_279 : i32
            %add3A_281 = vector.broadcast %add3A_280 : i32 to vector<16xi32>
            %add3A_282 = arith.addi %add3A_281, %iota3A : vector<16xi32>
            %ge3A_283 = arith.constant 8 : i32
            %ge3A_284 = vector.broadcast %ge3A_283 : i32 to vector<16xi32>
            %ge3A_285 = arith.cmpi sge, %add3A_282, %ge3A_284 : vector<16xi32>
            %lt3A_286 = arith.constant 80 : i32
            %lt3A_287 = vector.broadcast %lt3A_286 : i32 to vector<16xi32>
            %lt3A_288 = arith.cmpi slt, %add3A_282, %lt3A_287 : vector<16xi32>
            %ge3A_289 = arith.constant 88 : i32
            %ge3A_290 = vector.broadcast %ge3A_289 : i32 to vector<16xi32>
            %ge3A_291 = arith.cmpi sge, %add3A_282, %ge3A_290 : vector<16xi32>
            %or3A_292 = arith.ori %lt3A_288, %ge3A_291 : vector<16xi1>
            %and3A_293 = arith.andi %ge3A_285, %or3A_292 : vector<16xi1>
            %lt3A_294 = arith.cmpf olt, %add3A_278, %get3A_203 : vector<16xf32>
            %and3A_295 = arith.andi %lt3A_294, %and3A_293 : vector<16xi1>
            %convert_element_type3A_296 = arith.extui %and3A_295 : vector<16xi1> to vector<16xi32>
            %cumsum3A_297 = arith.constant true
            %cumsum3A_298 = vector.broadcast %cumsum3A_297 : i1 to vector<16xi1>
            %cumsum3A_299 = tpu.scan <sum>, %convert_element_type3A_296 masked %cumsum3A_298 : vector<16xi32>, vector<16xi1> -> vector<16xi32>
            %add3A_300 = arith.constant 48 : i32
            %add3A_301 = arith.addi %mul3A_201, %add3A_300 : i32
            %multiple_of3A_302 = tpu.assume_multiple %add3A_301, 16 : i32
            %get3A_303 = arith.index_cast %multiple_of3A_302 : i32 to index
            %get3A_304 = tpu.vector_load %arg12[%get3A_303] {strides = array<i32>} : memref<8448xf32, #tpu.memory_space<vmem>>, vector<16xf32>,
            %get3A_305 = arith.index_cast %multiple_of3A_302 : i32 to index
            %get3A_306 = tpu.vector_load %arg13[%get3A_305] {strides = array<i32>} : memref<8448xf32, #tpu.memory_space<vmem>>, vector<16xf32>,
            %sub3A_307 = arith.subf %div3A_44, %get3A_304 : vector<16xf32>
            %sub3A_308 = arith.subf %div3A_48, %get3A_306 : vector<16xf32>
            %mul3A_309 = arith.mulf %sub3A_307, %sub3A_307 : vector<16xf32>
            %mul3A_310 = arith.mulf %sub3A_308, %sub3A_308 : vector<16xf32>
            %add3A_311 = arith.addf %mul3A_309, %mul3A_310 : vector<16xf32>
            %add3A_312 = arith.constant 48 : i32
            %add3A_313 = arith.addi %mul3A_201, %add3A_312 : i32
            %add3A_314 = vector.broadcast %add3A_313 : i32 to vector<16xi32>
            %add3A_315 = arith.addi %add3A_314, %iota3A : vector<16xi32>
            %ge3A_316 = arith.constant 8 : i32
            %ge3A_317 = vector.broadcast %ge3A_316 : i32 to vector<16xi32>
            %ge3A_318 = arith.cmpi sge, %add3A_315, %ge3A_317 : vector<16xi32>
            %lt3A_319 = arith.constant 80 : i32
            %lt3A_320 = vector.broadcast %lt3A_319 : i32 to vector<16xi32>
            %lt3A_321 = arith.cmpi slt, %add3A_315, %lt3A_320 : vector<16xi32>
            %ge3A_322 = arith.constant 88 : i32
            %ge3A_323 = vector.broadcast %ge3A_322 : i32 to vector<16xi32>
            %ge3A_324 = arith.cmpi sge, %add3A_315, %ge3A_323 : vector<16xi32>
            %or3A_325 = arith.ori %lt3A_321, %ge3A_324 : vector<16xi1>
            %and3A_326 = arith.andi %ge3A_318, %or3A_325 : vector<16xi1>
            %lt3A_327 = arith.cmpf olt, %add3A_311, %get3A_203 : vector<16xf32>
            %and3A_328 = arith.andi %lt3A_327, %and3A_326 : vector<16xi1>
            %convert_element_type3A_329 = arith.extui %and3A_328 : vector<16xi1> to vector<16xi32>
            %cumsum3A_330 = arith.constant true
            %cumsum3A_331 = vector.broadcast %cumsum3A_330 : i1 to vector<16xi1>
            %cumsum3A_332 = tpu.scan <sum>, %convert_element_type3A_329 masked %cumsum3A_331 : vector<16xi32>, vector<16xi1> -> vector<16xi32>
            %add3A_333 = arith.constant 64 : i32
            %add3A_334 = arith.addi %mul3A_201, %add3A_333 : i32
            %multiple_of3A_335 = tpu.assume_multiple %add3A_334, 16 : i32
            %get3A_336 = arith.index_cast %multiple_of3A_335 : i32 to index
            %get3A_337 = tpu.vector_load %arg12[%get3A_336] {strides = array<i32>} : memref<8448xf32, #tpu.memory_space<vmem>>, vector<16xf32>,
            %get3A_338 = arith.index_cast %multiple_of3A_335 : i32 to index
            %get3A_339 = tpu.vector_load %arg13[%get3A_338] {strides = array<i32>} : memref<8448xf32, #tpu.memory_space<vmem>>, vector<16xf32>,
            %sub3A_340 = arith.subf %div3A_44, %get3A_337 : vector<16xf32>
            %sub3A_341 = arith.subf %div3A_48, %get3A_339 : vector<16xf32>
            %mul3A_342 = arith.mulf %sub3A_340, %sub3A_340 : vector<16xf32>
            %mul3A_343 = arith.mulf %sub3A_341, %sub3A_341 : vector<16xf32>
            %add3A_344 = arith.addf %mul3A_342, %mul3A_343 : vector<16xf32>
            %add3A_345 = arith.constant 64 : i32
            %add3A_346 = arith.addi %mul3A_201, %add3A_345 : i32
            %add3A_347 = vector.broadcast %add3A_346 : i32 to vector<16xi32>
            %add3A_348 = arith.addi %add3A_347, %iota3A : vector<16xi32>
            %ge3A_349 = arith.constant 8 : i32
            %ge3A_350 = vector.broadcast %ge3A_349 : i32 to vector<16xi32>
            %ge3A_351 = arith.cmpi sge, %add3A_348, %ge3A_350 : vector<16xi32>
            %lt3A_352 = arith.constant 80 : i32
            %lt3A_353 = vector.broadcast %lt3A_352 : i32 to vector<16xi32>
            %lt3A_354 = arith.cmpi slt, %add3A_348, %lt3A_353 : vector<16xi32>
            %ge3A_355 = arith.constant 88 : i32
            %ge3A_356 = vector.broadcast %ge3A_355 : i32 to vector<16xi32>
            %ge3A_357 = arith.cmpi sge, %add3A_348, %ge3A_356 : vector<16xi32>
            %or3A_358 = arith.ori %lt3A_354, %ge3A_357 : vector<16xi1>
            %and3A_359 = arith.andi %ge3A_351, %or3A_358 : vector<16xi1>
            %lt3A_360 = arith.cmpf olt, %add3A_344, %get3A_203 : vector<16xf32>
            %and3A_361 = arith.andi %lt3A_360, %and3A_359 : vector<16xi1>
            %convert_element_type3A_362 = arith.extui %and3A_361 : vector<16xi1> to vector<16xi32>
            %cumsum3A_363 = arith.constant true
            %cumsum3A_364 = vector.broadcast %cumsum3A_363 : i1 to vector<16xi1>
            %cumsum3A_365 = tpu.scan <sum>, %convert_element_type3A_362 masked %cumsum3A_364 : vector<16xi32>, vector<16xi1> -> vector<16xi32>
            %add3A_366 = arith.constant 80 : i32
            %add3A_367 = arith.addi %mul3A_201, %add3A_366 : i32
            %multiple_of3A_368 = tpu.assume_multiple %add3A_367, 16 : i32
            %get3A_369 = arith.index_cast %multiple_of3A_368 : i32 to index
            %get3A_370 = tpu.vector_load %arg12[%get3A_369] {strides = array<i32>} : memref<8448xf32, #tpu.memory_space<vmem>>, vector<16xf32>,
            %get3A_371 = arith.index_cast %multiple_of3A_368 : i32 to index
            %get3A_372 = tpu.vector_load %arg13[%get3A_371] {strides = array<i32>} : memref<8448xf32, #tpu.memory_space<vmem>>, vector<16xf32>,
            %sub3A_373 = arith.subf %div3A_44, %get3A_370 : vector<16xf32>
            %sub3A_374 = arith.subf %div3A_48, %get3A_372 : vector<16xf32>
            %mul3A_375 = arith.mulf %sub3A_373, %sub3A_373 : vector<16xf32>
            %mul3A_376 = arith.mulf %sub3A_374, %sub3A_374 : vector<16xf32>
            %add3A_377 = arith.addf %mul3A_375, %mul3A_376 : vector<16xf32>
            %add3A_378 = arith.constant 80 : i32
            %add3A_379 = arith.addi %mul3A_201, %add3A_378 : i32
            %add3A_380 = vector.broadcast %add3A_379 : i32 to vector<16xi32>
            %add3A_381 = arith.addi %add3A_380, %iota3A : vector<16xi32>
            %ge3A_382 = arith.constant 8 : i32
            %ge3A_383 = vector.broadcast %ge3A_382 : i32 to vector<16xi32>
            %ge3A_384 = arith.cmpi sge, %add3A_381, %ge3A_383 : vector<16xi32>
            %lt3A_385 = arith.constant 80 : i32
            %lt3A_386 = vector.broadcast %lt3A_385 : i32 to vector<16xi32>
            %lt3A_387 = arith.cmpi slt, %add3A_381, %lt3A_386 : vector<16xi32>
            %ge3A_388 = arith.constant 88 : i32
            %ge3A_389 = vector.broadcast %ge3A_388 : i32 to vector<16xi32>
            %ge3A_390 = arith.cmpi sge, %add3A_381, %ge3A_389 : vector<16xi32>
            %or3A_391 = arith.ori %lt3A_387, %ge3A_390 : vector<16xi1>
            %and3A_392 = arith.andi %ge3A_384, %or3A_391 : vector<16xi1>
            %lt3A_393 = arith.cmpf olt, %add3A_377, %get3A_203 : vector<16xf32>
            %and3A_394 = arith.andi %lt3A_393, %and3A_392 : vector<16xi1>
            %convert_element_type3A_395 = arith.extui %and3A_394 : vector<16xi1> to vector<16xi32>
            %cumsum3A_396 = arith.constant true
            %cumsum3A_397 = vector.broadcast %cumsum3A_396 : i1 to vector<16xi1>
            %cumsum3A_398 = tpu.scan <sum>, %convert_element_type3A_395 masked %cumsum3A_397 : vector<16xi32>, vector<16xi1> -> vector<16xi32>
            %add3A_399 = arith.constant 96 : i32
            %add3A_400 = arith.addi %mul3A_201, %add3A_399 : i32
            %multiple_of3A_401 = tpu.assume_multiple %add3A_400, 16 : i32
            %get3A_402 = arith.index_cast %multiple_of3A_401 : i32 to index
            %get3A_403 = tpu.vector_load %arg12[%get3A_402] {strides = array<i32>} : memref<8448xf32, #tpu.memory_space<vmem>>, vector<16xf32>,
            %get3A_404 = arith.index_cast %multiple_of3A_401 : i32 to index
            %get3A_405 = tpu.vector_load %arg13[%get3A_404] {strides = array<i32>} : memref<8448xf32, #tpu.memory_space<vmem>>, vector<16xf32>,
            %sub3A_406 = arith.subf %div3A_44, %get3A_403 : vector<16xf32>
            %sub3A_407 = arith.subf %div3A_48, %get3A_405 : vector<16xf32>
            %mul3A_408 = arith.mulf %sub3A_406, %sub3A_406 : vector<16xf32>
            %mul3A_409 = arith.mulf %sub3A_407, %sub3A_407 : vector<16xf32>
            %add3A_410 = arith.addf %mul3A_408, %mul3A_409 : vector<16xf32>
            %add3A_411 = arith.constant 96 : i32
            %add3A_412 = arith.addi %mul3A_201, %add3A_411 : i32
            %add3A_413 = vector.broadcast %add3A_412 : i32 to vector<16xi32>
            %add3A_414 = arith.addi %add3A_413, %iota3A : vector<16xi32>
            %ge3A_415 = arith.constant 8 : i32
            %ge3A_416 = vector.broadcast %ge3A_415 : i32 to vector<16xi32>
            %ge3A_417 = arith.cmpi sge, %add3A_414, %ge3A_416 : vector<16xi32>
            %lt3A_418 = arith.constant 80 : i32
            %lt3A_419 = vector.broadcast %lt3A_418 : i32 to vector<16xi32>
            %lt3A_420 = arith.cmpi slt, %add3A_414, %lt3A_419 : vector<16xi32>
            %ge3A_421 = arith.constant 88 : i32
            %ge3A_422 = vector.broadcast %ge3A_421 : i32 to vector<16xi32>
            %ge3A_423 = arith.cmpi sge, %add3A_414, %ge3A_422 : vector<16xi32>
            %or3A_424 = arith.ori %lt3A_420, %ge3A_423 : vector<16xi1>
            %and3A_425 = arith.andi %ge3A_417, %or3A_424 : vector<16xi1>
            %lt3A_426 = arith.cmpf olt, %add3A_410, %get3A_203 : vector<16xf32>
            %and3A_427 = arith.andi %lt3A_426, %and3A_425 : vector<16xi1>
            %convert_element_type3A_428 = arith.extui %and3A_427 : vector<16xi1> to vector<16xi32>
            %cumsum3A_429 = arith.constant true
            %cumsum3A_430 = vector.broadcast %cumsum3A_429 : i1 to vector<16xi1>
            %cumsum3A_431 = tpu.scan <sum>, %convert_element_type3A_428 masked %cumsum3A_430 : vector<16xi32>, vector<16xi1> -> vector<16xi32>
            %add3A_432 = arith.constant 112 : i32
            %add3A_433 = arith.addi %mul3A_201, %add3A_432 : i32
            %multiple_of3A_434 = tpu.assume_multiple %add3A_433, 16 : i32
            %get3A_435 = arith.index_cast %multiple_of3A_434 : i32 to index
            %get3A_436 = tpu.vector_load %arg12[%get3A_435] {strides = array<i32>} : memref<8448xf32, #tpu.memory_space<vmem>>, vector<16xf32>,
            %get3A_437 = arith.index_cast %multiple_of3A_434 : i32 to index
            %get3A_438 = tpu.vector_load %arg13[%get3A_437] {strides = array<i32>} : memref<8448xf32, #tpu.memory_space<vmem>>, vector<16xf32>,
            %sub3A_439 = arith.subf %div3A_44, %get3A_436 : vector<16xf32>
            %sub3A_440 = arith.subf %div3A_48, %get3A_438 : vector<16xf32>
            %mul3A_441 = arith.mulf %sub3A_439, %sub3A_439 : vector<16xf32>
            %mul3A_442 = arith.mulf %sub3A_440, %sub3A_440 : vector<16xf32>
            %add3A_443 = arith.addf %mul3A_441, %mul3A_442 : vector<16xf32>
            %add3A_444 = arith.constant 112 : i32
            %add3A_445 = arith.addi %mul3A_201, %add3A_444 : i32
            %add3A_446 = vector.broadcast %add3A_445 : i32 to vector<16xi32>
            %add3A_447 = arith.addi %add3A_446, %iota3A : vector<16xi32>
            %ge3A_448 = arith.constant 8 : i32
            %ge3A_449 = vector.broadcast %ge3A_448 : i32 to vector<16xi32>
            %ge3A_450 = arith.cmpi sge, %add3A_447, %ge3A_449 : vector<16xi32>
            %lt3A_451 = arith.constant 80 : i32
            %lt3A_452 = vector.broadcast %lt3A_451 : i32 to vector<16xi32>
            %lt3A_453 = arith.cmpi slt, %add3A_447, %lt3A_452 : vector<16xi32>
            %ge3A_454 = arith.constant 88 : i32
            %ge3A_455 = vector.broadcast %ge3A_454 : i32 to vector<16xi32>
            %ge3A_456 = arith.cmpi sge, %add3A_447, %ge3A_455 : vector<16xi32>
            %or3A_457 = arith.ori %lt3A_453, %ge3A_456 : vector<16xi1>
            %and3A_458 = arith.andi %ge3A_450, %or3A_457 : vector<16xi1>
            %lt3A_459 = arith.cmpf olt, %add3A_443, %get3A_203 : vector<16xf32>
            %and3A_460 = arith.andi %lt3A_459, %and3A_458 : vector<16xi1>
            %convert_element_type3A_461 = arith.extui %and3A_460 : vector<16xi1> to vector<16xi32>
            %cumsum3A_462 = arith.constant true
            %cumsum3A_463 = vector.broadcast %cumsum3A_462 : i1 to vector<16xi1>
            %cumsum3A_464 = tpu.scan <sum>, %convert_element_type3A_461 masked %cumsum3A_463 : vector<16xi32>, vector<16xi1> -> vector<16xi32>
            %get3A_465 = arith.constant 0 : i32
            %get3A_466 = arith.index_cast %get3A_465 : i32 to index
            %get3A_467 = memref.load %arg20[%get3A_466] : memref<1xi32, #tpu.memory_space<smem>>
            %add3A_468 = vector.broadcast %get3A_467 : i32 to vector<16xi32>
            %add3A_469 = arith.addi %add3A_468, %cumsum3A_233 : vector<16xi32>
            %sub3A_470 = arith.constant 1 : i32
            %sub3A_471 = vector.broadcast %sub3A_470 : i32 to vector<16xi32>
            %sub3A_472 = arith.subi %add3A_469, %sub3A_471 : vector<16xi32>
            tpu.vector_store_idx %arg16[%sub3A_472], %add3A_215 masked %and3A_230 : memref<240xf32, #tpu.memory_space<vmem>>[vector<16xi32>], vector<16xf32>, vector<16xi1>
            tpu.vector_store_idx %arg17[%sub3A_472], %add3A_219 masked %and3A_230 : memref<240xi32, #tpu.memory_space<vmem>>[vector<16xi32>], vector<16xi32>, vector<16xi1>
            %slice3A_473 = vector.extract_strided_slice %cumsum3A_233 {offsets = [15], sizes = [1], strides = [1]} : vector<16xi32> to vector<1xi32>
            %squeeze3A_474 = vector.extract %slice3A_473[0] : i32 from vector<1xi32>
            %add3A_475 = arith.addi %get3A_467, %squeeze3A_474 : i32
            %add3A_476 = vector.broadcast %add3A_475 : i32 to vector<16xi32>
            %add3A_477 = arith.addi %add3A_476, %cumsum3A_266 : vector<16xi32>
            %sub3A_478 = arith.constant 1 : i32
            %sub3A_479 = vector.broadcast %sub3A_478 : i32 to vector<16xi32>
            %sub3A_480 = arith.subi %add3A_477, %sub3A_479 : vector<16xi32>
            tpu.vector_store_idx %arg16[%sub3A_480], %add3A_245 masked %and3A_262 : memref<240xf32, #tpu.memory_space<vmem>>[vector<16xi32>], vector<16xf32>, vector<16xi1>
            tpu.vector_store_idx %arg17[%sub3A_480], %add3A_249 masked %and3A_262 : memref<240xi32, #tpu.memory_space<vmem>>[vector<16xi32>], vector<16xi32>, vector<16xi1>
            %slice3A_481 = vector.extract_strided_slice %cumsum3A_266 {offsets = [15], sizes = [1], strides = [1]} : vector<16xi32> to vector<1xi32>
            %squeeze3A_482 = vector.extract %slice3A_481[0] : i32 from vector<1xi32>
            %add3A_483 = arith.addi %add3A_475, %squeeze3A_482 : i32
            %add3A_484 = vector.broadcast %add3A_483 : i32 to vector<16xi32>
            %add3A_485 = arith.addi %add3A_484, %cumsum3A_299 : vector<16xi32>
            %sub3A_486 = arith.constant 1 : i32
            %sub3A_487 = vector.broadcast %sub3A_486 : i32 to vector<16xi32>
            %sub3A_488 = arith.subi %add3A_485, %sub3A_487 : vector<16xi32>
            tpu.vector_store_idx %arg16[%sub3A_488], %add3A_278 masked %and3A_295 : memref<240xf32, #tpu.memory_space<vmem>>[vector<16xi32>], vector<16xf32>, vector<16xi1>
            tpu.vector_store_idx %arg17[%sub3A_488], %add3A_282 masked %and3A_295 : memref<240xi32, #tpu.memory_space<vmem>>[vector<16xi32>], vector<16xi32>, vector<16xi1>
            %slice3A_489 = vector.extract_strided_slice %cumsum3A_299 {offsets = [15], sizes = [1], strides = [1]} : vector<16xi32> to vector<1xi32>
            %squeeze3A_490 = vector.extract %slice3A_489[0] : i32 from vector<1xi32>
            %add3A_491 = arith.addi %add3A_483, %squeeze3A_490 : i32
            %add3A_492 = vector.broadcast %add3A_491 : i32 to vector<16xi32>
            %add3A_493 = arith.addi %add3A_492, %cumsum3A_332 : vector<16xi32>
            %sub3A_494 = arith.constant 1 : i32
            %sub3A_495 = vector.broadcast %sub3A_494 : i32 to vector<16xi32>
            %sub3A_496 = arith.subi %add3A_493, %sub3A_495 : vector<16xi32>
            tpu.vector_store_idx %arg16[%sub3A_496], %add3A_311 masked %and3A_328 : memref<240xf32, #tpu.memory_space<vmem>>[vector<16xi32>], vector<16xf32>, vector<16xi1>
            tpu.vector_store_idx %arg17[%sub3A_496], %add3A_315 masked %and3A_328 : memref<240xi32, #tpu.memory_space<vmem>>[vector<16xi32>], vector<16xi32>, vector<16xi1>
            %slice3A_497 = vector.extract_strided_slice %cumsum3A_332 {offsets = [15], sizes = [1], strides = [1]} : vector<16xi32> to vector<1xi32>
            %squeeze3A_498 = vector.extract %slice3A_497[0] : i32 from vector<1xi32>
            %add3A_499 = arith.addi %add3A_491, %squeeze3A_498 : i32
            %add3A_500 = vector.broadcast %add3A_499 : i32 to vector<16xi32>
            %add3A_501 = arith.addi %add3A_500, %cumsum3A_365 : vector<16xi32>
            %sub3A_502 = arith.constant 1 : i32
            %sub3A_503 = vector.broadcast %sub3A_502 : i32 to vector<16xi32>
            %sub3A_504 = arith.subi %add3A_501, %sub3A_503 : vector<16xi32>
            tpu.vector_store_idx %arg16[%sub3A_504], %add3A_344 masked %and3A_361 : memref<240xf32, #tpu.memory_space<vmem>>[vector<16xi32>], vector<16xf32>, vector<16xi1>
            tpu.vector_store_idx %arg17[%sub3A_504], %add3A_348 masked %and3A_361 : memref<240xi32, #tpu.memory_space<vmem>>[vector<16xi32>], vector<16xi32>, vector<16xi1>
            %slice3A_505 = vector.extract_strided_slice %cumsum3A_365 {offsets = [15], sizes = [1], strides = [1]} : vector<16xi32> to vector<1xi32>
            %squeeze3A_506 = vector.extract %slice3A_505[0] : i32 from vector<1xi32>
            %add3A_507 = arith.addi %add3A_499, %squeeze3A_506 : i32
            %add3A_508 = vector.broadcast %add3A_507 : i32 to vector<16xi32>
            %add3A_509 = arith.addi %add3A_508, %cumsum3A_398 : vector<16xi32>
            %sub3A_510 = arith.constant 1 : i32
            %sub3A_511 = vector.broadcast %sub3A_510 : i32 to vector<16xi32>
            %sub3A_512 = arith.subi %add3A_509, %sub3A_511 : vector<16xi32>
            tpu.vector_store_idx %arg16[%sub3A_512], %add3A_377 masked %and3A_394 : memref<240xf32, #tpu.memory_space<vmem>>[vector<16xi32>], vector<16xf32>, vector<16xi1>
            tpu.vector_store_idx %arg17[%sub3A_512], %add3A_381 masked %and3A_394 : memref<240xi32, #tpu.memory_space<vmem>>[vector<16xi32>], vector<16xi32>, vector<16xi1>
            %slice3A_513 = vector.extract_strided_slice %cumsum3A_398 {offsets = [15], sizes = [1], strides = [1]} : vector<16xi32> to vector<1xi32>
            %squeeze3A_514 = vector.extract %slice3A_513[0] : i32 from vector<1xi32>
            %add3A_515 = arith.addi %add3A_507, %squeeze3A_514 : i32
            %add3A_516 = vector.broadcast %add3A_515 : i32 to vector<16xi32>
            %add3A_517 = arith.addi %add3A_516, %cumsum3A_431 : vector<16xi32>
            %sub3A_518 = arith.constant 1 : i32
            %sub3A_519 = vector.broadcast %sub3A_518 : i32 to vector<16xi32>
            %sub3A_520 = arith.subi %add3A_517, %sub3A_519 : vector<16xi32>
            tpu.vector_store_idx %arg16[%sub3A_520], %add3A_410 masked %and3A_427 : memref<240xf32, #tpu.memory_space<vmem>>[vector<16xi32>], vector<16xf32>, vector<16xi1>
            tpu.vector_store_idx %arg17[%sub3A_520], %add3A_414 masked %and3A_427 : memref<240xi32, #tpu.memory_space<vmem>>[vector<16xi32>], vector<16xi32>, vector<16xi1>
            %slice3A_521 = vector.extract_strided_slice %cumsum3A_431 {offsets = [15], sizes = [1], strides = [1]} : vector<16xi32> to vector<1xi32>
            %squeeze3A_522 = vector.extract %slice3A_521[0] : i32 from vector<1xi32>
            %add3A_523 = arith.addi %add3A_515, %squeeze3A_522 : i32
            %add3A_524 = vector.broadcast %add3A_523 : i32 to vector<16xi32>
            %add3A_525 = arith.addi %add3A_524, %cumsum3A_464 : vector<16xi32>
            %sub3A_526 = arith.constant 1 : i32
            %sub3A_527 = vector.broadcast %sub3A_526 : i32 to vector<16xi32>
            %sub3A_528 = arith.subi %add3A_525, %sub3A_527 : vector<16xi32>
            tpu.vector_store_idx %arg16[%sub3A_528], %add3A_443 masked %and3A_460 : memref<240xf32, #tpu.memory_space<vmem>>[vector<16xi32>], vector<16xf32>, vector<16xi1>
            tpu.vector_store_idx %arg17[%sub3A_528], %add3A_447 masked %and3A_460 : memref<240xi32, #tpu.memory_space<vmem>>[vector<16xi32>], vector<16xi32>, vector<16xi1>
            %slice3A_529 = vector.extract_strided_slice %cumsum3A_464 {offsets = [15], sizes = [1], strides = [1]} : vector<16xi32> to vector<1xi32>
            %squeeze3A_530 = vector.extract %slice3A_529[0] : i32 from vector<1xi32>
            %add3A_531 = arith.addi %add3A_523, %squeeze3A_530 : i32
            %swap3A_532 = arith.constant 0 : i32
            %swap3A_533 = arith.index_cast %swap3A_532 : i32 to index
            %swap3A_534 = memref.load %arg20[%swap3A_533] : memref<1xi32, #tpu.memory_space<smem>>
            memref.store %add3A_531, %arg20[%swap3A_533] : memref<1xi32, #tpu.memory_space<smem>>
            %gt3A_535 = arith.constant 112 : i32
            %gt3A_536 = arith.cmpi sgt, %add3A_531, %gt3A_535 : i32
            %convert_element_type3A_537 = arith.extui %gt3A_536 : i1 to i32
            %cond3A_538 = arith.constant 0 : i32
            %cond3A_539 = arith.cmpi ne, %convert_element_type3A_537, %cond3A_538 : i32
            scf.if %cond3A_539 {
              %get3A_544 = arith.constant 0 : i32
              %get3A_545 = arith.index_cast %get3A_544 : i32 to index
              %get3A_546 = memref.load %arg20[%get3A_545] : memref<1xi32, #tpu.memory_space<smem>>
              %broadcast_in_dim3A_547 = arith.constant 0x7F800000 : f32
              %broadcast_in_dim3A_548 = vector.broadcast %broadcast_in_dim3A_547 : f32 to vector<16xf32>
              %broadcast_in_dim3A_549 = arith.constant 0 : i32
              %broadcast_in_dim3A_550 = vector.broadcast %broadcast_in_dim3A_549 : i32 to vector<16xi32>
              %add3A_551 = arith.constant 16 : i32
              %add3A_552 = arith.addi %get3A_546, %add3A_551 : i32
              %sub3A_553 = arith.constant 1 : i32
              %sub3A_554 = arith.subi %add3A_552, %sub3A_553 : i32
              %jit3A_555 = arith.constant 16 : i32
              %div3A_556 = arith.divsi %sub3A_554, %jit3A_555 : i32
              %sign3A_557 = arith.constant 0 : i32
              %sign3A_558 = arith.cmpi sgt, %sub3A_554, %sign3A_557 : i32
              %sign3A_559 = arith.extui %sign3A_558 : i1 to i32
              %sign3A_560 = arith.constant 0 : i32
              %sign3A_561 = arith.cmpi slt, %sub3A_554, %sign3A_560 : i32
              %sign3A_562 = arith.extui %sign3A_561 : i1 to i32
              %sign3A_563 = arith.subi %sign3A_559, %sign3A_562 : i32
              %sign3A_564 = arith.constant 0 : i32
              %sign3A_565 = arith.cmpi sgt, %jit3A_555, %sign3A_564 : i32
              %sign3A_566 = arith.extui %sign3A_565 : i1 to i32
              %sign3A_567 = arith.constant 0 : i32
              %sign3A_568 = arith.cmpi slt, %jit3A_555, %sign3A_567 : i32
              %sign3A_569 = arith.extui %sign3A_568 : i1 to i32
              %sign3A_570 = arith.subi %sign3A_566, %sign3A_569 : i32
              %ne3A_571 = arith.cmpi ne, %sign3A_563, %sign3A_570 : i32
              %rem3A_572 = arith.remsi %sub3A_554, %jit3A_555 : i32
              %ne3A_573 = arith.constant 0 : i32
              %ne3A_574 = arith.cmpi ne, %rem3A_572, %ne3A_573 : i32
              %and3A_575 = arith.andi %ne3A_571, %ne3A_574 : i1
              %sub3A_576 = arith.constant 1 : i32
              %sub3A_577 = arith.subi %div3A_556, %sub3A_576 : i32
              %select_n3A_578 = arith.select %and3A_575, %sub3A_577, %div3A_556 : i32
              %while3A_579 = arith.constant 0 : i32
              %while3A_580 = arith.subi %select_n3A_578, %while3A_579 : i32
              %while3A_581 = arith.addi %while3A_579, %while3A_580 : i32
              %while3A_582 = arith.constant 1 : i32
              %while3A_583 = arith.divsi %while3A_580, %while3A_582 : i32
              %while3A_584 = arith.muli %while3A_583, %while3A_582 : i32
              %while3A_585 = arith.addi %while3A_579, %while3A_584 : i32
              %while3A_586 = arith.constant 1 : i32
              %while3A_587:2 = scf.for %while3A_603 = %while3A_579 to %while3A_585 step %while3A_586 iter_args(%while3A_604 = %broadcast_in_dim3A_548, %while3A_605 = %broadcast_in_dim3A_550) -> (vector<16xf32>, vector<16xi32>)  : i32 {
                %mul3A_606 = arith.constant 16 : i32
                %mul3A_607 = arith.muli %while3A_603, %mul3A_606 : i32
                %multiple_of3A_608 = tpu.assume_multiple %mul3A_607, 16 : i32
                %mul3A_609 = arith.constant 16 : i32
                %mul3A_610 = arith.muli %while3A_603, %mul3A_609 : i32
                %add3A_611 = vector.broadcast %mul3A_610 : i32 to vector<16xi32>
                %add3A_612 = arith.addi %add3A_611, %iota3A : vector<16xi32>
                %lt3A_613 = vector.broadcast %get3A_546 : i32 to vector<16xi32>
                %lt3A_614 = arith.cmpi slt, %add3A_612, %lt3A_613 : vector<16xi32>
                %get3A_615 = arith.index_cast %multiple_of3A_608 : i32 to index
                %get3A_616 = tpu.vector_load %arg16[%get3A_615] {strides = array<i32>} : memref<240xf32, #tpu.memory_space<vmem>>, vector<16xf32>,
                %jit3A_617 = arith.constant 0x7F800000 : f32
                %broadcast_in_dim3A_618 = vector.broadcast %jit3A_617 : f32 to vector<16xf32>
                %select_n3A_619 = arith.select %lt3A_614, %get3A_616, %broadcast_in_dim3A_618 : vector<16xi1>, vector<16xf32>
                %get3A_620 = arith.index_cast %multiple_of3A_608 : i32 to index
                %get3A_621 = tpu.vector_load %arg17[%get3A_620] {strides = array<i32>} : memref<240xi32, #tpu.memory_space<vmem>>, vector<16xi32>,
                %masked_sort3A_622 = arith.constant dense<true> : vector<16xi1>
                %masked_sort3A_623, %masked_sort3A_624, %masked_sort3A_625 = tpu.sort %select_n3A_619, %get3A_621 masked %masked_sort3A_622 {descending = true} : (vector<16xf32>, vector<16xi32>, vector<16xi1>) -> (vector<16xi1>, vector<16xf32>, vector<16xi32>)
                %lt3A_626 = arith.cmpf olt, %masked_sort3A_624, %while3A_604 : vector<16xf32>
                %select_n3A_627 = arith.select %lt3A_626, %masked_sort3A_624, %while3A_604 : vector<16xi1>, vector<16xf32>
                %select_n3A_628 = arith.select %lt3A_626, %masked_sort3A_625, %while3A_605 : vector<16xi1>, vector<16xi32>
                %masked_sort3A_629 = arith.constant dense<true> : vector<16xi1>
                %masked_sort3A_630, %masked_sort3A_631, %masked_sort3A_632 = tpu.sort %select_n3A_627, %select_n3A_628 masked %masked_sort3A_629 : (vector<16xf32>, vector<16xi32>, vector<16xi1>) -> (vector<16xi1>, vector<16xf32>, vector<16xi32>)
                scf.yield %masked_sort3A_631, %masked_sort3A_632 : vector<16xf32>, vector<16xi32>
              }
              %while3A_588 = arith.constant 1 : i32
              %while3A_589:2 = scf.for %while3A_603 = %while3A_585 to %while3A_581 step %while3A_588 iter_args(%while3A_604 = %while3A_587#0, %while3A_605 = %while3A_587#1) -> (vector<16xf32>, vector<16xi32>)  : i32 {
                %mul3A_606 = arith.constant 16 : i32
                %mul3A_607 = arith.muli %while3A_603, %mul3A_606 : i32
                %multiple_of3A_608 = tpu.assume_multiple %mul3A_607, 16 : i32
                %mul3A_609 = arith.constant 16 : i32
                %mul3A_610 = arith.muli %while3A_603, %mul3A_609 : i32
                %add3A_611 = vector.broadcast %mul3A_610 : i32 to vector<16xi32>
                %add3A_612 = arith.addi %add3A_611, %iota3A : vector<16xi32>
                %lt3A_613 = vector.broadcast %get3A_546 : i32 to vector<16xi32>
                %lt3A_614 = arith.cmpi slt, %add3A_612, %lt3A_613 : vector<16xi32>
                %get3A_615 = arith.index_cast %multiple_of3A_608 : i32 to index
                %get3A_616 = tpu.vector_load %arg16[%get3A_615] {strides = array<i32>} : memref<240xf32, #tpu.memory_space<vmem>>, vector<16xf32>,
                %jit3A_617 = arith.constant 0x7F800000 : f32
                %broadcast_in_dim3A_618 = vector.broadcast %jit3A_617 : f32 to vector<16xf32>
                %select_n3A_619 = arith.select %lt3A_614, %get3A_616, %broadcast_in_dim3A_618 : vector<16xi1>, vector<16xf32>
                %get3A_620 = arith.index_cast %multiple_of3A_608 : i32 to index
                %get3A_621 = tpu.vector_load %arg17[%get3A_620] {strides = array<i32>} : memref<240xi32, #tpu.memory_space<vmem>>, vector<16xi32>,
                %masked_sort3A_622 = arith.constant dense<true> : vector<16xi1>
                %masked_sort3A_623, %masked_sort3A_624, %masked_sort3A_625 = tpu.sort %select_n3A_619, %get3A_621 masked %masked_sort3A_622 {descending = true} : (vector<16xf32>, vector<16xi32>, vector<16xi1>) -> (vector<16xi1>, vector<16xf32>, vector<16xi32>)
                %lt3A_626 = arith.cmpf olt, %masked_sort3A_624, %while3A_604 : vector<16xf32>
                %select_n3A_627 = arith.select %lt3A_626, %masked_sort3A_624, %while3A_604 : vector<16xi1>, vector<16xf32>
                %select_n3A_628 = arith.select %lt3A_626, %masked_sort3A_625, %while3A_605 : vector<16xi1>, vector<16xi32>
                %masked_sort3A_629 = arith.constant dense<true> : vector<16xi1>
                %masked_sort3A_630, %masked_sort3A_631, %masked_sort3A_632 = tpu.sort %select_n3A_627, %select_n3A_628 masked %masked_sort3A_629 : (vector<16xf32>, vector<16xi32>, vector<16xi1>) -> (vector<16xi1>, vector<16xf32>, vector<16xi32>)
                scf.yield %masked_sort3A_631, %masked_sort3A_632 : vector<16xf32>, vector<16xi32>
              }
              %swap3A_590 = arith.constant 0 : index
              %swap3A_591 = tpu.vector_load %arg16[%swap3A_590] {strides = array<i32>} : memref<240xf32, #tpu.memory_space<vmem>>, vector<16xf32>,
              tpu.vector_store %arg16[%swap3A_590], %while3A_589#0 {strides = array<i32>} : memref<240xf32, #tpu.memory_space<vmem>>, vector<16xf32>,
              %swap3A_592 = arith.constant 0 : index
              %swap3A_593 = tpu.vector_load %arg17[%swap3A_592] {strides = array<i32>} : memref<240xi32, #tpu.memory_space<vmem>>, vector<16xi32>,
              tpu.vector_store %arg17[%swap3A_592], %while3A_589#1 {strides = array<i32>} : memref<240xi32, #tpu.memory_space<vmem>>, vector<16xi32>,
              %swap3A_594 = arith.constant 16 : i32
              %swap3A_595 = arith.constant 0 : i32
              %swap3A_596 = arith.index_cast %swap3A_595 : i32 to index
              %swap3A_597 = memref.load %arg20[%swap3A_596] : memref<1xi32, #tpu.memory_space<smem>>
              memref.store %swap3A_594, %arg20[%swap3A_596] : memref<1xi32, #tpu.memory_space<smem>>
              %slice3A_598 = vector.extract_strided_slice %while3A_589#0 {offsets = [8], sizes = [1], strides = [1]} : vector<16xf32> to vector<1xf32>
              %squeeze3A_599 = vector.extract %slice3A_598[0] : f32 from vector<1xf32>
              %broadcast_in_dim3A_600 = vector.broadcast %squeeze3A_599 : f32 to vector<16xf32>
              %swap3A_601 = arith.constant 0 : index
              %swap3A_602 = tpu.vector_load %arg19[%swap3A_601] {strides = array<i32>} : memref<16xf32, #tpu.memory_space<vmem>>, vector<16xf32>,
              tpu.vector_store %arg19[%swap3A_601], %broadcast_in_dim3A_600 {strides = array<i32>} : memref<16xf32, #tpu.memory_space<vmem>>, vector<16xf32>,
            } else {
            }
            %ne3A_540 = vector.broadcast %squeeze3A_196 : i32 to vector<16xi32>
            %ne3A_541 = arith.cmpi ne, %iota3A, %ne3A_540 : vector<16xi32>
            %convert_element_type3A_542 = arith.extui %ne3A_541 : vector<16xi1> to vector<16xi32>
            %mul3A_543 = arith.muli %while3A_191, %convert_element_type3A_542 : vector<16xi32>
            scf.yield %mul3A_543 : vector<16xi32>
          }
        } else {
        }
        %scan3A_188 = arith.constant 0 : i32
        scf.yield %scan3A_188 : i32
      }
      %scan3A_79 = arith.constant 5 : i32
      %get3A_80 = arith.constant 0 : i32
      %get3A_81 = arith.index_cast %get3A_80 : i32 to index
      %get3A_82 = memref.load %arg20[%get3A_81] : memref<1xi32, #tpu.memory_space<smem>>
      %broadcast_in_dim3A_83 = arith.constant 0x7F800000 : f32
      %broadcast_in_dim3A_84 = vector.broadcast %broadcast_in_dim3A_83 : f32 to vector<16xf32>
      %broadcast_in_dim3A_85 = arith.constant 0 : i32
      %broadcast_in_dim3A_86 = vector.broadcast %broadcast_in_dim3A_85 : i32 to vector<16xi32>
      %add3A_87 = arith.constant 16 : i32
      %add3A_88 = arith.addi %get3A_82, %add3A_87 : i32
      %sub3A_89 = arith.constant 1 : i32
      %sub3A_90 = arith.subi %add3A_88, %sub3A_89 : i32
      %jit3A = arith.constant 16 : i32
      %div3A_91 = arith.divsi %sub3A_90, %jit3A : i32
      %sign3A = arith.constant 0 : i32
      %sign3A_92 = arith.cmpi sgt, %sub3A_90, %sign3A : i32
      %sign3A_93 = arith.extui %sign3A_92 : i1 to i32
      %sign3A_94 = arith.constant 0 : i32
      %sign3A_95 = arith.cmpi slt, %sub3A_90, %sign3A_94 : i32
      %sign3A_96 = arith.extui %sign3A_95 : i1 to i32
      %sign3A_97 = arith.subi %sign3A_93, %sign3A_96 : i32
      %sign3A_98 = arith.constant 0 : i32
      %sign3A_99 = arith.cmpi sgt, %jit3A, %sign3A_98 : i32
      %sign3A_100 = arith.extui %sign3A_99 : i1 to i32
      %sign3A_101 = arith.constant 0 : i32
      %sign3A_102 = arith.cmpi slt, %jit3A, %sign3A_101 : i32
      %sign3A_103 = arith.extui %sign3A_102 : i1 to i32
      %sign3A_104 = arith.subi %sign3A_100, %sign3A_103 : i32
      %ne3A = arith.cmpi ne, %sign3A_97, %sign3A_104 : i32
      %rem3A = arith.remsi %sub3A_90, %jit3A : i32
      %ne3A_105 = arith.constant 0 : i32
      %ne3A_106 = arith.cmpi ne, %rem3A, %ne3A_105 : i32
      %and3A = arith.andi %ne3A, %ne3A_106 : i1
      %sub3A_107 = arith.constant 1 : i32
      %sub3A_108 = arith.subi %div3A_91, %sub3A_107 : i32
      %select_n3A_109 = arith.select %and3A, %sub3A_108, %div3A_91 : i32
      %while3A = arith.constant 0 : i32
      %while3A_110 = arith.subi %select_n3A_109, %while3A : i32
      %while3A_111 = arith.addi %while3A, %while3A_110 : i32
      %while3A_112 = arith.constant 1 : i32
      %while3A_113 = arith.divsi %while3A_110, %while3A_112 : i32
      %while3A_114 = arith.muli %while3A_113, %while3A_112 : i32
      %while3A_115 = arith.addi %while3A, %while3A_114 : i32
      %while3A_116 = arith.constant 1 : i32
      %while3A_117:2 = scf.for %while3A_171 = %while3A to %while3A_115 step %while3A_116 iter_args(%while3A_172 = %broadcast_in_dim3A_84, %while3A_173 = %broadcast_in_dim3A_86) -> (vector<16xf32>, vector<16xi32>)  : i32 {
        %mul3A_174 = arith.constant 16 : i32
        %mul3A_175 = arith.muli %while3A_171, %mul3A_174 : i32
        %multiple_of3A_176 = tpu.assume_multiple %mul3A_175, 16 : i32
        %mul3A_177 = arith.constant 16 : i32
        %mul3A_178 = arith.muli %while3A_171, %mul3A_177 : i32
        %add3A_179 = vector.broadcast %mul3A_178 : i32 to vector<16xi32>
        %add3A_180 = arith.addi %add3A_179, %iota3A : vector<16xi32>
        %lt3A_181 = vector.broadcast %get3A_82 : i32 to vector<16xi32>
        %lt3A_182 = arith.cmpi slt, %add3A_180, %lt3A_181 : vector<16xi32>
        %get3A_183 = arith.index_cast %multiple_of3A_176 : i32 to index
        %get3A_184 = tpu.vector_load %arg16[%get3A_183] {strides = array<i32>} : memref<240xf32, #tpu.memory_space<vmem>>, vector<16xf32>,
        %jit3A_185 = arith.constant 0x7F800000 : f32
        %broadcast_in_dim3A_186 = vector.broadcast %jit3A_185 : f32 to vector<16xf32>
        %select_n3A_187 = arith.select %lt3A_182, %get3A_184, %broadcast_in_dim3A_186 : vector<16xi1>, vector<16xf32>
        %get3A_188 = arith.index_cast %multiple_of3A_176 : i32 to index
        %get3A_189 = tpu.vector_load %arg17[%get3A_188] {strides = array<i32>} : memref<240xi32, #tpu.memory_space<vmem>>, vector<16xi32>,
        %masked_sort3A_190 = arith.constant dense<true> : vector<16xi1>
        %masked_sort3A_191, %masked_sort3A_192, %masked_sort3A_193 = tpu.sort %select_n3A_187, %get3A_189 masked %masked_sort3A_190 {descending = true} : (vector<16xf32>, vector<16xi32>, vector<16xi1>) -> (vector<16xi1>, vector<16xf32>, vector<16xi32>)
        %lt3A_194 = arith.cmpf olt, %masked_sort3A_192, %while3A_172 : vector<16xf32>
        %select_n3A_195 = arith.select %lt3A_194, %masked_sort3A_192, %while3A_172 : vector<16xi1>, vector<16xf32>
        %select_n3A_196 = arith.select %lt3A_194, %masked_sort3A_193, %while3A_173 : vector<16xi1>, vector<16xi32>
        %masked_sort3A_197 = arith.constant dense<true> : vector<16xi1>
        %masked_sort3A_198, %masked_sort3A_199, %masked_sort3A_200 = tpu.sort %select_n3A_195, %select_n3A_196 masked %masked_sort3A_197 : (vector<16xf32>, vector<16xi32>, vector<16xi1>) -> (vector<16xi1>, vector<16xf32>, vector<16xi32>)
        scf.yield %masked_sort3A_199, %masked_sort3A_200 : vector<16xf32>, vector<16xi32>
      }
      %while3A_118 = arith.constant 1 : i32
      %while3A_119:2 = scf.for %while3A_171 = %while3A_115 to %while3A_111 step %while3A_118 iter_args(%while3A_172 = %while3A_117#0, %while3A_173 = %while3A_117#1) -> (vector<16xf32>, vector<16xi32>)  : i32 {
        %mul3A_174 = arith.constant 16 : i32
        %mul3A_175 = arith.muli %while3A_171, %mul3A_174 : i32
        %multiple_of3A_176 = tpu.assume_multiple %mul3A_175, 16 : i32
        %mul3A_177 = arith.constant 16 : i32
        %mul3A_178 = arith.muli %while3A_171, %mul3A_177 : i32
        %add3A_179 = vector.broadcast %mul3A_178 : i32 to vector<16xi32>
        %add3A_180 = arith.addi %add3A_179, %iota3A : vector<16xi32>
        %lt3A_181 = vector.broadcast %get3A_82 : i32 to vector<16xi32>
        %lt3A_182 = arith.cmpi slt, %add3A_180, %lt3A_181 : vector<16xi32>
        %get3A_183 = arith.index_cast %multiple_of3A_176 : i32 to index
        %get3A_184 = tpu.vector_load %arg16[%get3A_183] {strides = array<i32>} : memref<240xf32, #tpu.memory_space<vmem>>, vector<16xf32>,
        %jit3A_185 = arith.constant 0x7F800000 : f32
        %broadcast_in_dim3A_186 = vector.broadcast %jit3A_185 : f32 to vector<16xf32>
        %select_n3A_187 = arith.select %lt3A_182, %get3A_184, %broadcast_in_dim3A_186 : vector<16xi1>, vector<16xf32>
        %get3A_188 = arith.index_cast %multiple_of3A_176 : i32 to index
        %get3A_189 = tpu.vector_load %arg17[%get3A_188] {strides = array<i32>} : memref<240xi32, #tpu.memory_space<vmem>>, vector<16xi32>,
        %masked_sort3A_190 = arith.constant dense<true> : vector<16xi1>
        %masked_sort3A_191, %masked_sort3A_192, %masked_sort3A_193 = tpu.sort %select_n3A_187, %get3A_189 masked %masked_sort3A_190 {descending = true} : (vector<16xf32>, vector<16xi32>, vector<16xi1>) -> (vector<16xi1>, vector<16xf32>, vector<16xi32>)
        %lt3A_194 = arith.cmpf olt, %masked_sort3A_192, %while3A_172 : vector<16xf32>
        %select_n3A_195 = arith.select %lt3A_194, %masked_sort3A_192, %while3A_172 : vector<16xi1>, vector<16xf32>
        %select_n3A_196 = arith.select %lt3A_194, %masked_sort3A_193, %while3A_173 : vector<16xi1>, vector<16xi32>
        %masked_sort3A_197 = arith.constant dense<true> : vector<16xi1>
        %masked_sort3A_198, %masked_sort3A_199, %masked_sort3A_200 = tpu.sort %select_n3A_195, %select_n3A_196 masked %masked_sort3A_197 : (vector<16xf32>, vector<16xi32>, vector<16xi1>) -> (vector<16xi1>, vector<16xf32>, vector<16xi32>)
        scf.yield %masked_sort3A_199, %masked_sort3A_200 : vector<16xf32>, vector<16xi32>
      }
      %gather3A_120 = tpu.vector_load_idx %arg8[%while3A_119#1] : memref<8448xf32, #tpu.memory_space<vmem>>[vector<16xi32>], vector<16xf32>,
      %gather3A_121 = tpu.vector_load_idx %arg9[%while3A_119#1] : memref<8448xf32, #tpu.memory_space<vmem>>[vector<16xi32>], vector<16xf32>,
      %gather3A_122 = tpu.vector_load_idx %arg10[%while3A_119#1] : memref<8448xf32, #tpu.memory_space<vmem>>[vector<16xi32>], vector<16xf32>,
      %gather3A_123 = tpu.vector_load_idx %arg11[%while3A_119#1] : memref<8448xf32, #tpu.memory_space<vmem>>[vector<16xi32>], vector<16xf32>,
      %min3A = arith.minimumf %get3A_37, %gather3A_122 : vector<16xf32>
      %max3A = arith.maximumf %get3A_29, %gather3A_120 : vector<16xf32>
      %sub3A_124 = arith.subf %min3A, %max3A : vector<16xf32>
      %min3A_125 = arith.minimumf %get3A_41, %gather3A_123 : vector<16xf32>
      %max3A_126 = arith.maximumf %get3A_33, %gather3A_121 : vector<16xf32>
      %sub3A_127 = arith.subf %min3A_125, %max3A_126 : vector<16xf32>
      %max3A_128 = arith.constant 0.000000e+00 : f32
      %max3A_129 = vector.broadcast %max3A_128 : f32 to vector<16xf32>
      %max3A_130 = arith.maximumf %sub3A_124, %max3A_129 : vector<16xf32>
      %max3A_131 = arith.constant 0.000000e+00 : f32
      %max3A_132 = vector.broadcast %max3A_131 : f32 to vector<16xf32>
      %max3A_133 = arith.maximumf %sub3A_127, %max3A_132 : vector<16xf32>
      %mul3A_134 = arith.mulf %max3A_130, %max3A_133 : vector<16xf32>
      %sub3A_135 = arith.subf %get3A_37, %get3A_29 : vector<16xf32>
      %max3A_136 = arith.constant 0.000000e+00 : f32
      %max3A_137 = vector.broadcast %max3A_136 : f32 to vector<16xf32>
      %max3A_138 = arith.maximumf %sub3A_135, %max3A_137 : vector<16xf32>
      %sub3A_139 = arith.subf %get3A_41, %get3A_33 : vector<16xf32>
      %max3A_140 = arith.constant 0.000000e+00 : f32
      %max3A_141 = vector.broadcast %max3A_140 : f32 to vector<16xf32>
      %max3A_142 = arith.maximumf %sub3A_139, %max3A_141 : vector<16xf32>
      %mul3A_143 = arith.mulf %max3A_138, %max3A_142 : vector<16xf32>
      %sub3A_144 = arith.subf %gather3A_122, %gather3A_120 : vector<16xf32>
      %max3A_145 = arith.constant 0.000000e+00 : f32
      %max3A_146 = vector.broadcast %max3A_145 : f32 to vector<16xf32>
      %max3A_147 = arith.maximumf %sub3A_144, %max3A_146 : vector<16xf32>
      %sub3A_148 = arith.subf %gather3A_123, %gather3A_121 : vector<16xf32>
      %max3A_149 = arith.constant 0.000000e+00 : f32
      %max3A_150 = vector.broadcast %max3A_149 : f32 to vector<16xf32>
      %max3A_151 = arith.maximumf %sub3A_148, %max3A_150 : vector<16xf32>
      %mul3A_152 = arith.mulf %max3A_147, %max3A_151 : vector<16xf32>
      %add3A_153 = arith.addf %mul3A_143, %mul3A_152 : vector<16xf32>
      %sub3A_154 = arith.subf %add3A_153, %mul3A_134 : vector<16xf32>
      %add3A_155 = arith.constant 9.99999971E-10 : f32
      %add3A_156 = vector.broadcast %add3A_155 : f32 to vector<16xf32>
      %add3A_157 = arith.addf %sub3A_154, %add3A_156 : vector<16xf32>
      %div3A_158 = arith.divf %mul3A_134, %add3A_157 : vector<16xf32>
      %lt3A_159 = arith.constant 9 : i32
      %lt3A_160 = vector.broadcast %lt3A_159 : i32 to vector<16xi32>
      %lt3A_161 = arith.cmpi slt, %iota3A, %lt3A_160 : vector<16xi32>
      %jit3A_162 = arith.constant 0.000000e+00 : f32
      %broadcast_in_dim3A_163 = vector.broadcast %jit3A_162 : f32 to vector<16xf32>
      %select_n3A_164 = arith.select %lt3A_161, %div3A_158, %broadcast_in_dim3A_163 : vector<16xi1>, vector<16xf32>
      %mul3A_165 = arith.constant 16 : i32
      %mul3A_166 = arith.muli %scan3A_22, %mul3A_165 : i32
      %multiple_of3A_167 = tpu.assume_multiple %mul3A_166, 16 : i32
      %swap3A_168 = arith.index_cast %multiple_of3A_167 : i32 to index
      %swap3A_169 = tpu.vector_load %arg18[%swap3A_168] {strides = array<i32>} : memref<512xf32, #tpu.memory_space<vmem>>, vector<16xf32>,
      tpu.vector_store %arg18[%swap3A_168], %select_n3A_164 {strides = array<i32>} : memref<512xf32, #tpu.memory_space<vmem>>, vector<16xf32>,
      %scan3A_170 = arith.constant 0 : i32
      scf.yield %scan3A_170 : i32
    }
    %scan3A_18 = arith.constant 32 : i32
    %mul3A_19 = arith.constant 16 : i32
    %mul3A_20 = arith.muli %mul3A_2, %mul3A_19 : i32
    %multiple_of3A_21 = tpu.assume_multiple %mul3A_20, 128 : i32
    "tpu.region"() ({
      %run_scoped3A_22 = tpu.sem_alloc : memref<!tpu.dma_semaphore, #tpu.memory_space<semaphore_mem>>
      %dma_start3A = tpu.memref_slice %arg7[%multiple_of3A_21] : memref<16384xf32, #tpu.memory_space<hbm>> -> memref<512xf32, #tpu.memory_space<hbm>>
      %dma_start3A_23 = tpu.memref_slice %arg7[%multiple_of3A_21] : memref<16384xf32, #tpu.memory_space<hbm>> -> memref<512xf32, #tpu.memory_space<hbm>>
      tpu.enqueue_dma source(%arg18 : memref<512xf32, #tpu.memory_space<vmem>>) target(%dma_start3A_23 : memref<512xf32, #tpu.memory_space<hbm>>) target_semaphore(%run_scoped3A_22 : memref<!tpu.dma_semaphore, #tpu.memory_space<semaphore_mem>>)
      %dma_wait3A = tpu.memref_slice %arg7[%multiple_of3A_21] : memref<16384xf32, #tpu.memory_space<hbm>> -> memref<512xf32, #tpu.memory_space<hbm>>
      %dma_wait3A_24 = tpu.memref_slice %arg7[%multiple_of3A_21] : memref<16384xf32, #tpu.memory_space<hbm>> -> memref<512xf32, #tpu.memory_space<hbm>>
      tpu.wait_dma2 semaphore(%run_scoped3A_22 : memref<!tpu.dma_semaphore, #tpu.memory_space<semaphore_mem>>) src(%arg18 : memref<512xf32, #tpu.memory_space<vmem>>) dst(%dma_wait3A_24 : memref<512xf32, #tpu.memory_space<hbm>>)
      tpu.yield
    }) : () -> ()
    return
  }
}

module attributes {stable_mosaic.version = 14 : i64} {
  func.func @_prep_body(%arg0: i32, %arg1: memref<1x64x4xf32, #tpu.memory_space<vmem>>, %arg2: memref<8x8448xf32, #tpu.memory_space<vmem>>, %arg3: memref<1x64x80xf32, #tpu.memory_space<vmem>>, %arg4: memref<8448xf32, #tpu.memory_space<vmem>>, %arg5: memref<8448xf32, #tpu.memory_space<vmem>>, %arg6: memref<1x64x64xf32, #tpu.memory_space<vmem>>) attributes {dimension_semantics = [#tpu.dimension_semantics<arbitrary>], iteration_bounds = array<i64: 16>, scalar_prefetch = 0 : i64, scratch_operands = 0 : i64, tpu.core_type = #tpu.core_type<tc>, window_params = [{transform_indices = @transform_0, window_bounds = array<i64: 1, 64, 4>}, {pipeline_mode = #tpu.pipeline_mode<synchronous>, transform_indices = @transform_1, window_bounds = array<i64: 8, 8448>}, {transform_indices = @transform_2, window_bounds = array<i64: 1, 64, 80>}, {pipeline_mode = #tpu.pipeline_mode<synchronous>, transform_indices = @transform_3, window_bounds = array<i64: 8448>}, {pipeline_mode = #tpu.pipeline_mode<synchronous>, transform_indices = @transform_4, window_bounds = array<i64: 8448>}, {transform_indices = @transform_5, window_bounds = array<i64: 1, 64, 64>}]} {
    %get3A = arith.constant 0 : index
    %get3A_0 = arith.constant 0 : index
    %get3A_1 = vector.load %arg2[%get3A, %get3A_0] : memref<8x8448xf32, #tpu.memory_space<vmem>>, vector<1x8448xf32>
    %get3A_2 = arith.constant 1 : index
    %get3A_3 = arith.constant 0 : index
    %get3A_4 = vector.load %arg2[%get3A_2, %get3A_3] : memref<8x8448xf32, #tpu.memory_space<vmem>>, vector<1x8448xf32>
    %get3A_5 = arith.constant 2 : index
    %get3A_6 = arith.constant 0 : index
    %get3A_7 = vector.load %arg2[%get3A_5, %get3A_6] : memref<8x8448xf32, #tpu.memory_space<vmem>>, vector<1x8448xf32>
    %get3A_8 = arith.constant 3 : index
    %get3A_9 = arith.constant 0 : index
    %get3A_10 = vector.load %arg2[%get3A_8, %get3A_9] : memref<8x8448xf32, #tpu.memory_space<vmem>>, vector<1x8448xf32>
    %add3A = arith.addf %get3A_1, %get3A_7 : vector<1x8448xf32>
    %div3A = arith.constant 2.000000e+00 : f32
    %div3A_11 = vector.broadcast %div3A : f32 to vector<1x8448xf32>
    %div3A_12 = arith.divf %add3A, %div3A_11 : vector<1x8448xf32>
    %add3A_13 = arith.addf %get3A_4, %get3A_10 : vector<1x8448xf32>
    %div3A_14 = arith.constant 2.000000e+00 : f32
    %div3A_15 = vector.broadcast %div3A_14 : f32 to vector<1x8448xf32>
    %div3A_16 = arith.divf %add3A_13, %div3A_15 : vector<1x8448xf32>
    %get3A_17 = arith.constant 0 : index
    %get3A_18 = arith.constant 0 : index
    %get3A_19 = arith.constant 0 : index
    %get3A_20 = vector.load %arg1[%get3A_17, %get3A_18, %get3A_19] : memref<1x64x4xf32, #tpu.memory_space<vmem>>, vector<1x64x4xf32>
    %get3A_21 = vector.shape_cast %get3A_20 : vector<1x64x4xf32> to vector<64x4xf32>
    %slice3A = vector.extract_strided_slice %get3A_21 {offsets = [0, 0], sizes = [64, 1], strides = [1, 1]} : vector<64x4xf32> to vector<64x1xf32>
    %slice3A_22 = vector.extract_strided_slice %get3A_21 {offsets = [0, 1], sizes = [64, 1], strides = [1, 1]} : vector<64x4xf32> to vector<64x1xf32>
    %slice3A_23 = vector.extract_strided_slice %get3A_21 {offsets = [0, 2], sizes = [64, 1], strides = [1, 1]} : vector<64x4xf32> to vector<64x1xf32>
    %slice3A_24 = vector.extract_strided_slice %get3A_21 {offsets = [0, 3], sizes = [64, 1], strides = [1, 1]} : vector<64x4xf32> to vector<64x1xf32>
    %add3A_25 = arith.addf %slice3A, %slice3A_23 : vector<64x1xf32>
    %div3A_26 = arith.constant 2.000000e+00 : f32
    %div3A_27 = vector.broadcast %div3A_26 : f32 to vector<64x1xf32>
    %div3A_28 = arith.divf %add3A_25, %div3A_27 : vector<64x1xf32>
    %add3A_29 = arith.addf %slice3A_22, %slice3A_24 : vector<64x1xf32>
    %div3A_30 = arith.constant 2.000000e+00 : f32
    %div3A_31 = vector.broadcast %div3A_30 : f32 to vector<64x1xf32>
    %div3A_32 = arith.divf %add3A_29, %div3A_31 : vector<64x1xf32>
    %squeeze3A = vector.shape_cast %div3A_12 : vector<1x8448xf32> to vector<8448xf32>
    %swap3A = arith.constant 0 : index
    %swap3A_33 = vector.load %arg4[%swap3A] : memref<8448xf32, #tpu.memory_space<vmem>>, vector<8448xf32>
    tpu.vector_store %arg4[%swap3A], %squeeze3A {strides = array<i32>} : memref<8448xf32, #tpu.memory_space<vmem>>, vector<8448xf32>,
    %squeeze3A_34 = vector.shape_cast %div3A_16 : vector<1x8448xf32> to vector<8448xf32>
    %swap3A_35 = arith.constant 0 : index
    %swap3A_36 = vector.load %arg5[%swap3A_35] : memref<8448xf32, #tpu.memory_space<vmem>>, vector<8448xf32>
    tpu.vector_store %arg5[%swap3A_35], %squeeze3A_34 {strides = array<i32>} : memref<8448xf32, #tpu.memory_space<vmem>>, vector<8448xf32>,
    %broadcast_in_dim3A = vector.shape_cast %slice3A : vector<64x1xf32> to vector<64x1xf32>
    %broadcast_in_dim3A_37 = vector.broadcast %broadcast_in_dim3A : vector<64x1xf32> to vector<64x16xf32>
    %broadcast_in_dim3A_38 = vector.shape_cast %slice3A_22 : vector<64x1xf32> to vector<64x1xf32>
    %broadcast_in_dim3A_39 = vector.broadcast %broadcast_in_dim3A_38 : vector<64x1xf32> to vector<64x16xf32>
    %broadcast_in_dim3A_40 = vector.shape_cast %slice3A_23 : vector<64x1xf32> to vector<64x1xf32>
    %broadcast_in_dim3A_41 = vector.broadcast %broadcast_in_dim3A_40 : vector<64x1xf32> to vector<64x16xf32>
    %broadcast_in_dim3A_42 = vector.shape_cast %slice3A_24 : vector<64x1xf32> to vector<64x1xf32>
    %broadcast_in_dim3A_43 = vector.broadcast %broadcast_in_dim3A_42 : vector<64x1xf32> to vector<64x16xf32>
    %concatenate3A = tpu.concatenate %broadcast_in_dim3A_37, %broadcast_in_dim3A_39, %broadcast_in_dim3A_41, %broadcast_in_dim3A_43 in 1 : vector<64x16xf32>, vector<64x16xf32>, vector<64x16xf32>, vector<64x16xf32> -> vector<64x64xf32>
    %swap3A_44 = arith.constant 0 : index
    %swap3A_45 = arith.constant 0 : index
    %swap3A_46 = arith.constant 0 : index
    %swap3A_47 = vector.load %arg6[%swap3A_44, %swap3A_45, %swap3A_46] : memref<1x64x64xf32, #tpu.memory_space<vmem>>, vector<1x64x64xf32>
    %swap3A_48 = vector.shape_cast %swap3A_47 : vector<1x64x64xf32> to vector<64x64xf32>
    %swap3A_49 = vector.shape_cast %concatenate3A : vector<64x64xf32> to vector<1x64x64xf32>
    tpu.vector_store %arg6[%swap3A_44, %swap3A_45, %swap3A_46], %swap3A_49 {strides = array<i32>} : memref<1x64x64xf32, #tpu.memory_space<vmem>>, vector<1x64x64xf32>,
    %sub3A = vector.broadcast %div3A_28 : vector<64x1xf32> to vector<64x8448xf32>
    %sub3A_50 = vector.broadcast %div3A_12 : vector<1x8448xf32> to vector<64x8448xf32>
    %sub3A_51 = arith.subf %sub3A, %sub3A_50 : vector<64x8448xf32>
    %sub3A_52 = vector.broadcast %div3A_32 : vector<64x1xf32> to vector<64x8448xf32>
    %sub3A_53 = vector.broadcast %div3A_16 : vector<1x8448xf32> to vector<64x8448xf32>
    %sub3A_54 = arith.subf %sub3A_52, %sub3A_53 : vector<64x8448xf32>
    %mul3A = arith.mulf %sub3A_51, %sub3A_51 : vector<64x8448xf32>
    %mul3A_55 = arith.mulf %sub3A_54, %sub3A_54 : vector<64x8448xf32>
    %add3A_56 = arith.addf %mul3A, %mul3A_55 : vector<64x8448xf32>
    %reshape3A = vector.shape_cast %add3A_56 : vector<64x8448xf32> to vector<64x66x128xf32>
    %reduce_min3A = arith.constant dense<0x7F800000> : vector<64x66xf32>
    %reduce_min3A_57 = vector.multi_reduction <minimumf>, %reshape3A, %reduce_min3A [2] : vector<64x66x128xf32> to vector<64x66xf32>
    %broadcast_in_dim3A_58 = arith.constant 0x7F800000 : f32
    %broadcast_in_dim3A_59 = vector.broadcast %broadcast_in_dim3A_58 : f32 to vector<64x14xf32>
    %concatenate3A_60 = tpu.concatenate %reduce_min3A_57, %broadcast_in_dim3A_59 in 1 : vector<64x66xf32>, vector<64x14xf32> -> vector<64x80xf32>
    %swap3A_61 = arith.constant 0 : index
    %swap3A_62 = arith.constant 0 : index
    %swap3A_63 = arith.constant 0 : index
    %swap3A_64 = vector.load %arg3[%swap3A_61, %swap3A_62, %swap3A_63] : memref<1x64x80xf32, #tpu.memory_space<vmem>>, vector<1x64x80xf32>
    %swap3A_65 = vector.shape_cast %swap3A_64 : vector<1x64x80xf32> to vector<64x80xf32>
    %swap3A_66 = vector.shape_cast %concatenate3A_60 : vector<64x80xf32> to vector<1x64x80xf32>
    tpu.vector_store %arg3[%swap3A_61, %swap3A_62, %swap3A_63], %swap3A_66 {strides = array<i32>} : memref<1x64x80xf32, #tpu.memory_space<vmem>>, vector<1x64x80xf32>,
    return
  }
  func.func @transform_0(%arg0: i32) -> (i32, i32, i32) {
    %c0_i32 = arith.constant 0 : i32
    %c0_i32_0 = arith.constant 0 : i32
    %c0_i32_1 = arith.constant 0 : i32
    return %arg0, %c0_i32, %c0_i32_0 : i32, i32, i32
  }
  func.func @transform_1(%arg0: i32) -> (i32, i32) {
    %c0_i32 = arith.constant 0 : i32
    %c0_i32_0 = arith.constant 0 : i32
    %c0_i32_1 = arith.constant 0 : i32
    return %c0_i32, %c0_i32_0 : i32, i32
  }
  func.func @transform_2(%arg0: i32) -> (i32, i32, i32) {
    %c0_i32 = arith.constant 0 : i32
    %c0_i32_0 = arith.constant 0 : i32
    %c0_i32_1 = arith.constant 0 : i32
    return %arg0, %c0_i32, %c0_i32_0 : i32, i32, i32
  }
  func.func @transform_3(%arg0: i32) -> i32 {
    %c0_i32 = arith.constant 0 : i32
    %c0_i32_0 = arith.constant 0 : i32
    return %c0_i32 : i32
  }
  func.func @transform_4(%arg0: i32) -> i32 {
    %c0_i32 = arith.constant 0 : i32
    %c0_i32_0 = arith.constant 0 : i32
    return %c0_i32 : i32
  }
  func.func @transform_5(%arg0: i32) -> (i32, i32, i32) {
    %c0_i32 = arith.constant 0 : i32
    %c0_i32_0 = arith.constant 0 : i32
    %c0_i32_1 = arith.constant 0 : i32
    return %arg0, %c0_i32, %c0_i32_0 : i32, i32, i32
  }
}

module attributes {stable_mosaic.version = 14 : i64} {
  func.func @_mask_body(%arg0: i32, %arg1: memref<1x64x4xf32, #tpu.memory_space<vmem>>, %arg2: memref<8x8448xf32, #tpu.memory_space<vmem>>, %arg3: memref<1x64x16xf32, #tpu.memory_space<vmem>>, %arg4: memref<1x64x8400xi8, #tpu.memory_space<vmem>>, %arg5: memref<1x64x8400xi8, #tpu.memory_space<vmem>>) attributes {dimension_semantics = [#tpu.dimension_semantics<arbitrary>], iteration_bounds = array<i64: 16>, scalar_prefetch = 0 : i64, scratch_operands = 0 : i64, tpu.core_type = #tpu.core_type<tc>, window_params = [{transform_indices = @transform_0, window_bounds = array<i64: 1, 64, 4>}, {pipeline_mode = #tpu.pipeline_mode<synchronous>, transform_indices = @transform_1, window_bounds = array<i64: 8, 8448>}, {transform_indices = @transform_2, window_bounds = array<i64: 1, 64, 16>}, {transform_indices = @transform_3, window_bounds = array<i64: 1, 64, 8400>}, {transform_indices = @transform_4, window_bounds = array<i64: 1, 64, 8400>}]} {
    %get3A = arith.constant 0 : index
    %get3A_0 = arith.constant 0 : index
    %get3A_1 = vector.load %arg2[%get3A, %get3A_0] : memref<8x8448xf32, #tpu.memory_space<vmem>>, vector<1x8448xf32>
    %get3A_2 = arith.constant 1 : index
    %get3A_3 = arith.constant 0 : index
    %get3A_4 = vector.load %arg2[%get3A_2, %get3A_3] : memref<8x8448xf32, #tpu.memory_space<vmem>>, vector<1x8448xf32>
    %get3A_5 = arith.constant 2 : index
    %get3A_6 = arith.constant 0 : index
    %get3A_7 = vector.load %arg2[%get3A_5, %get3A_6] : memref<8x8448xf32, #tpu.memory_space<vmem>>, vector<1x8448xf32>
    %get3A_8 = arith.constant 3 : index
    %get3A_9 = arith.constant 0 : index
    %get3A_10 = vector.load %arg2[%get3A_8, %get3A_9] : memref<8x8448xf32, #tpu.memory_space<vmem>>, vector<1x8448xf32>
    %get3A_11 = arith.constant 0 : index
    %get3A_12 = arith.constant 0 : index
    %get3A_13 = arith.constant 0 : index
    %get3A_14 = vector.load %arg1[%get3A_11, %get3A_12, %get3A_13] : memref<1x64x4xf32, #tpu.memory_space<vmem>>, vector<1x64x4xf32>
    %get3A_15 = vector.shape_cast %get3A_14 : vector<1x64x4xf32> to vector<64x4xf32>
    %slice3A = vector.extract_strided_slice %get3A_15 {offsets = [0, 0], sizes = [64, 1], strides = [1, 1]} : vector<64x4xf32> to vector<64x1xf32>
    %slice3A_16 = vector.extract_strided_slice %get3A_15 {offsets = [0, 1], sizes = [64, 1], strides = [1, 1]} : vector<64x4xf32> to vector<64x1xf32>
    %slice3A_17 = vector.extract_strided_slice %get3A_15 {offsets = [0, 2], sizes = [64, 1], strides = [1, 1]} : vector<64x4xf32> to vector<64x1xf32>
    %slice3A_18 = vector.extract_strided_slice %get3A_15 {offsets = [0, 3], sizes = [64, 1], strides = [1, 1]} : vector<64x4xf32> to vector<64x1xf32>
    %min3A = vector.broadcast %slice3A_17 : vector<64x1xf32> to vector<64x8448xf32>
    %min3A_19 = vector.broadcast %get3A_7 : vector<1x8448xf32> to vector<64x8448xf32>
    %min3A_20 = arith.minimumf %min3A, %min3A_19 : vector<64x8448xf32>
    %max3A = vector.broadcast %slice3A : vector<64x1xf32> to vector<64x8448xf32>
    %max3A_21 = vector.broadcast %get3A_1 : vector<1x8448xf32> to vector<64x8448xf32>
    %max3A_22 = arith.maximumf %max3A, %max3A_21 : vector<64x8448xf32>
    %sub3A = arith.subf %min3A_20, %max3A_22 : vector<64x8448xf32>
    %min3A_23 = vector.broadcast %slice3A_18 : vector<64x1xf32> to vector<64x8448xf32>
    %min3A_24 = vector.broadcast %get3A_10 : vector<1x8448xf32> to vector<64x8448xf32>
    %min3A_25 = arith.minimumf %min3A_23, %min3A_24 : vector<64x8448xf32>
    %max3A_26 = vector.broadcast %slice3A_16 : vector<64x1xf32> to vector<64x8448xf32>
    %max3A_27 = vector.broadcast %get3A_4 : vector<1x8448xf32> to vector<64x8448xf32>
    %max3A_28 = arith.maximumf %max3A_26, %max3A_27 : vector<64x8448xf32>
    %sub3A_29 = arith.subf %min3A_25, %max3A_28 : vector<64x8448xf32>
    %max3A_30 = arith.constant 0.000000e+00 : f32
    %max3A_31 = vector.broadcast %max3A_30 : f32 to vector<64x8448xf32>
    %max3A_32 = arith.maximumf %sub3A, %max3A_31 : vector<64x8448xf32>
    %max3A_33 = arith.constant 0.000000e+00 : f32
    %max3A_34 = vector.broadcast %max3A_33 : f32 to vector<64x8448xf32>
    %max3A_35 = arith.maximumf %sub3A_29, %max3A_34 : vector<64x8448xf32>
    %mul3A = arith.mulf %max3A_32, %max3A_35 : vector<64x8448xf32>
    %sub3A_36 = arith.subf %slice3A_17, %slice3A : vector<64x1xf32>
    %max3A_37 = arith.constant 0.000000e+00 : f32
    %max3A_38 = vector.broadcast %max3A_37 : f32 to vector<64x1xf32>
    %max3A_39 = arith.maximumf %sub3A_36, %max3A_38 : vector<64x1xf32>
    %sub3A_40 = arith.subf %slice3A_18, %slice3A_16 : vector<64x1xf32>
    %max3A_41 = arith.constant 0.000000e+00 : f32
    %max3A_42 = vector.broadcast %max3A_41 : f32 to vector<64x1xf32>
    %max3A_43 = arith.maximumf %sub3A_40, %max3A_42 : vector<64x1xf32>
    %mul3A_44 = arith.mulf %max3A_39, %max3A_43 : vector<64x1xf32>
    %sub3A_45 = arith.subf %get3A_7, %get3A_1 : vector<1x8448xf32>
    %max3A_46 = arith.constant 0.000000e+00 : f32
    %max3A_47 = vector.broadcast %max3A_46 : f32 to vector<1x8448xf32>
    %max3A_48 = arith.maximumf %sub3A_45, %max3A_47 : vector<1x8448xf32>
    %sub3A_49 = arith.subf %get3A_10, %get3A_4 : vector<1x8448xf32>
    %max3A_50 = arith.constant 0.000000e+00 : f32
    %max3A_51 = vector.broadcast %max3A_50 : f32 to vector<1x8448xf32>
    %max3A_52 = arith.maximumf %sub3A_49, %max3A_51 : vector<1x8448xf32>
    %mul3A_53 = arith.mulf %max3A_48, %max3A_52 : vector<1x8448xf32>
    %add3A = vector.broadcast %mul3A_44 : vector<64x1xf32> to vector<64x8448xf32>
    %add3A_54 = vector.broadcast %mul3A_53 : vector<1x8448xf32> to vector<64x8448xf32>
    %add3A_55 = arith.addf %add3A, %add3A_54 : vector<64x8448xf32>
    %sub3A_56 = arith.subf %add3A_55, %mul3A : vector<64x8448xf32>
    %add3A_57 = arith.constant 9.99999971E-10 : f32
    %add3A_58 = vector.broadcast %add3A_57 : f32 to vector<64x8448xf32>
    %add3A_59 = arith.addf %sub3A_56, %add3A_58 : vector<64x8448xf32>
    %div3A = arith.divf %mul3A, %add3A_59 : vector<64x8448xf32>
    %get3A_60 = arith.constant 0 : index
    %get3A_61 = arith.constant 0 : index
    %get3A_62 = arith.constant 0 : index
    %get3A_63 = vector.load %arg3[%get3A_60, %get3A_61, %get3A_62] : memref<1x64x16xf32, #tpu.memory_space<vmem>>, vector<1x64x16xf32>
    %get3A_64 = vector.shape_cast %get3A_63 : vector<1x64x16xf32> to vector<64x16xf32>
    %gt3A = arith.constant 0.000000e+00 : f32
    %gt3A_65 = vector.broadcast %gt3A : f32 to vector<64x16xf32>
    %gt3A_66 = arith.cmpf ogt, %get3A_64, %gt3A_65 : vector<64x16xf32>
    %convert_element_type3A = arith.extui %gt3A_66 : vector<64x16xi1> to vector<64x16xi32>
    %convert_element_type3A_67 = arith.sitofp %convert_element_type3A : vector<64x16xi32> to vector<64x16xf32>
    %reduce_sum3A = vector.shape_cast %convert_element_type3A_67 : vector<64x16xf32> to vector<1x64x16xf32>
    %reduce_sum3A_68 = arith.constant dense<0.000000e+00> : vector<1xf32>
    %reduce_sum3A_69 = vector.multi_reduction <add>, %reduce_sum3A, %reduce_sum3A_68 [1, 2] : vector<1x64x16xf32> to vector<1xf32>
    %reduce_sum3A_70 = vector.shape_cast %reduce_sum3A_69 : vector<1xf32> to vector<1x1x1xf32>
    %reduce_sum3A_71 = vector.extract %reduce_sum3A_70[0, 0, 0] : f32 from vector<1x1x1xf32>
    %mul3A_72 = arith.mulf %get3A_64, %convert_element_type3A_67 : vector<64x16xf32>
    %reduce_sum3A_73 = vector.shape_cast %mul3A_72 : vector<64x16xf32> to vector<1x64x16xf32>
    %reduce_sum3A_74 = arith.constant dense<0.000000e+00> : vector<1xf32>
    %reduce_sum3A_75 = vector.multi_reduction <add>, %reduce_sum3A_73, %reduce_sum3A_74 [1, 2] : vector<1x64x16xf32> to vector<1xf32>
    %reduce_sum3A_76 = vector.shape_cast %reduce_sum3A_75 : vector<1xf32> to vector<1x1x1xf32>
    %reduce_sum3A_77 = vector.extract %reduce_sum3A_76[0, 0, 0] : f32 from vector<1x1x1xf32>
    %div3A_78 = arith.divf %reduce_sum3A_77, %reduce_sum3A_71 : f32
    %sub3A_79 = vector.broadcast %div3A_78 : f32 to vector<64x16xf32>
    %sub3A_80 = arith.subf %get3A_64, %sub3A_79 : vector<64x16xf32>
    %integer_pow3A = arith.mulf %sub3A_80, %sub3A_80 : vector<64x16xf32>
    %mul3A_81 = arith.mulf %integer_pow3A, %convert_element_type3A_67 : vector<64x16xf32>
    %reduce_sum3A_82 = vector.shape_cast %mul3A_81 : vector<64x16xf32> to vector<1x64x16xf32>
    %reduce_sum3A_83 = arith.constant dense<0.000000e+00> : vector<1xf32>
    %reduce_sum3A_84 = vector.multi_reduction <add>, %reduce_sum3A_82, %reduce_sum3A_83 [1, 2] : vector<1x64x16xf32> to vector<1xf32>
    %reduce_sum3A_85 = vector.shape_cast %reduce_sum3A_84 : vector<1xf32> to vector<1x1x1xf32>
    %reduce_sum3A_86 = vector.extract %reduce_sum3A_85[0, 0, 0] : f32 from vector<1x1x1xf32>
    %sub3A_87 = arith.constant 1.000000e+00 : f32
    %sub3A_88 = arith.subf %reduce_sum3A_71, %sub3A_87 : f32
    %div3A_89 = arith.divf %reduce_sum3A_86, %sub3A_88 : f32
    %sqrt3A = math.sqrt %div3A_89 : f32
    %add3A_90 = arith.addf %div3A_78, %sqrt3A : f32
    %slice3A_91 = vector.extract_strided_slice %div3A {offsets = [0, 0], sizes = [64, 8400], strides = [1, 1]} : vector<64x8448xf32> to vector<64x8400xf32>
    %gt3A_92 = vector.broadcast %add3A_90 : f32 to vector<64x8400xf32>
    %gt3A_93 = arith.cmpf ogt, %slice3A_91, %gt3A_92 : vector<64x8400xf32>
    %convert_element_type3A_94 = arith.extui %gt3A_93 : vector<64x8400xi1> to vector<64x8400xi8>
    %swap3A = arith.constant 0 : index
    %swap3A_95 = arith.constant 0 : index
    %swap3A_96 = arith.constant 0 : index
    %swap3A_97 = vector.load %arg4[%swap3A, %swap3A_95, %swap3A_96] : memref<1x64x8400xi8, #tpu.memory_space<vmem>>, vector<1x64x8400xi8>
    %swap3A_98 = vector.shape_cast %swap3A_97 : vector<1x64x8400xi8> to vector<64x8400xi8>
    %swap3A_99 = vector.shape_cast %convert_element_type3A_94 : vector<64x8400xi8> to vector<1x64x8400xi8>
    tpu.vector_store %arg4[%swap3A, %swap3A_95, %swap3A_96], %swap3A_99 {strides = array<i32>} : memref<1x64x8400xi8, #tpu.memory_space<vmem>>, vector<1x64x8400xi8>,
    %lt3A = vector.broadcast %add3A_90 : f32 to vector<64x8400xf32>
    %lt3A_100 = arith.cmpf olt, %slice3A_91, %lt3A : vector<64x8400xf32>
    %convert_element_type3A_101 = arith.extui %lt3A_100 : vector<64x8400xi1> to vector<64x8400xi8>
    %swap3A_102 = arith.constant 0 : index
    %swap3A_103 = arith.constant 0 : index
    %swap3A_104 = arith.constant 0 : index
    %swap3A_105 = vector.load %arg5[%swap3A_102, %swap3A_103, %swap3A_104] : memref<1x64x8400xi8, #tpu.memory_space<vmem>>, vector<1x64x8400xi8>
    %swap3A_106 = vector.shape_cast %swap3A_105 : vector<1x64x8400xi8> to vector<64x8400xi8>
    %swap3A_107 = vector.shape_cast %convert_element_type3A_101 : vector<64x8400xi8> to vector<1x64x8400xi8>
    tpu.vector_store %arg5[%swap3A_102, %swap3A_103, %swap3A_104], %swap3A_107 {strides = array<i32>} : memref<1x64x8400xi8, #tpu.memory_space<vmem>>, vector<1x64x8400xi8>,
    return
  }
  func.func @transform_0(%arg0: i32) -> (i32, i32, i32) {
    %c0_i32 = arith.constant 0 : i32
    %c0_i32_0 = arith.constant 0 : i32
    %c0_i32_1 = arith.constant 0 : i32
    return %arg0, %c0_i32, %c0_i32_0 : i32, i32, i32
  }
  func.func @transform_1(%arg0: i32) -> (i32, i32) {
    %c0_i32 = arith.constant 0 : i32
    %c0_i32_0 = arith.constant 0 : i32
    %c0_i32_1 = arith.constant 0 : i32
    return %c0_i32, %c0_i32_0 : i32, i32
  }
  func.func @transform_2(%arg0: i32) -> (i32, i32, i32) {
    %c0_i32 = arith.constant 0 : i32
    %c0_i32_0 = arith.constant 0 : i32
    %c0_i32_1 = arith.constant 0 : i32
    return %arg0, %c0_i32, %c0_i32_0 : i32, i32, i32
  }
  func.func @transform_3(%arg0: i32) -> (i32, i32, i32) {
    %c0_i32 = arith.constant 0 : i32
    %c0_i32_0 = arith.constant 0 : i32
    %c0_i32_1 = arith.constant 0 : i32
    return %arg0, %c0_i32, %c0_i32_0 : i32, i32, i32
  }
  func.func @transform_4(%arg0: i32) -> (i32, i32, i32) {
    %c0_i32 = arith.constant 0 : i32
    %c0_i32_0 = arith.constant 0 : i32
    %c0_i32_1 = arith.constant 0 : i32
    return %arg0, %c0_i32, %c0_i32_0 : i32, i32, i32
  }
}

</mosaic_0001>

<sc_bundles>
// kernel: kernel.5.cloned.1.call-start
scs
__scs_entry_jumppad:
0x0: {  	(pc) =	sbr.rel $0x88, $3  }
0x1: {  	(tag) =	ssettag $0x0;
	lr =	simm.s32 $0x1  }
0x2: {  	[smem:$0x3F9F] =	sst lr;
	_ =	strace $0xD0000000  }
0x3: {  	_ = 	snop  }
0x4: {  	_ = 	snop  }
0x5: {  	_ = 	snop  }
0x6: {  	_ = 	snop  }
0x7: {  	_ = 	snop  }
__scs_overlays_trampoline_lowered:
0x8: {  	[smem:$0x3FAE] =	sst s0  }
0x9: {  	[smem:$0x3FAF] =	sst s1  }
0xa: {  	[smem:$0x3FB0] =	sst s2  }
0xb: {  	[smem:$0x3FB1] =	sst s3  }
0xc: {  	[smem:$0x3FB2] =	sst s4  }
0xd: {  	[smem:$0x3FB3] =	sst s5  }
0xe: {  	[smem:$0x3FB4] =	sst s6  }
0xf: {  	[smem:$0x3FB5] =	sst s7  }
0x10: {  	[smem:$0x3FB6] =	sst s8  }
0x11: {  	[smem:$0x3FB7] =	sst s9;
	s0 =	simm.s32 @!p0 $0x0  }
0x12: {  	s1 =	sld [smem:$0x3F9D];
	s0 =	simm.s32 @p0 $0x1  }
0x13: {  	[smem:$0x3FB8] =	sst s0;
	s0 =	simm.s32 @!p1 $0x0  }
0x14: {  	s2 =	sld [smem:$0x3F9C];
	s0 =	simm.s32 @p1 $0x1  }
0x15: {  	[smem:$0x3FB9] =	sst s0;
	s0 =	simm.s32 @!p2 $0x0  }
0x16: {  	s3 =	sld [smem:$0x3FDB];
	s0 =	simm.s32 @p2 $0x1  }
0x17: {  	s4 =	simm.s32 $0x1BF5;
	[smem:$0x3FBB] =	sst s0  }
0x18: {  	s0 =	sld [smem:$0x3F9E];
	_ =	swait.ge [sflag:s4], $0x0  }
0x19: {  	s7 =	sld [smem:$0x3F9F]  }
0x1a: {  	s8 =	sadd.s32 $0xFFFFE003, lr  }
0x1b: {  	s9 =	sadd.s32 $0xFFFFFEF7, lr;
	s5 =	simm.s32 $0xFFFFFFFF;
	p2 =	slt.u32 s8, $0xFFFFF086  }
0x1c: {  	p1 =	slt.u32 s9, $0xF7A;
	s5 =	simm.s32 @!p2 $0x0  }
0x1d: {  	s5 =	simm.s32 @p1 $0x1;
	p0 =	seq.s32 s7, s2  }
0x1e: {  	s7 =	smul.u32 @!p0 $0xF7A, s2;
	p2 =	seq.s32 @!p0 s5, $0x0  }
0x1f: {  	s9 =	smul.u32 $0xF7A, s1;
	s8 =	simm.s32 @!p0 $0x1BF5;
	p2 =	por !p2, p0  }
0x20: {  	[sflag:s8] =	ssyncset.s32 @!p0 $0xFFFFF086;
	s6 =	sadd.s32 @!p0 s3, s7;
	s7 =	simm.s32 @!p0 $0x108  }
0x21: {  	s3 =	sadd.s32 s3, s9;
	s6 =	sadd.s32 @!p0 $0x88, s6;
	s7 =	simm.s32 @p2 $0x1082  }
0x22: {  	[simem:s7], [sflag:s8] =	dma.local @!p0 [hbm:s6], $0xF7A  }
0x23: {  	s9 =	sor.u32 $0xD0000000, s2;
	s6 =	simm.s32 $0x108;
	_ =	swait.ge @!p0 [sflag:s8], $0x0  }
0x24: {  	s3 =	sadd.s32 $0x88, s3;
	s6 =	simm.s32 @!p1 $0x1082;
	[sflag:s4] =	ssyncset.s32 $0xFFFFF086  }
0x25: {  	[simem:s6], [sflag:s4] =	dma.local [hbm:s3], $0xF7A  }
0x26: {  	[smem:$0x3F9F] =	sst s1;
	(tag) =	ssettag s2;
	_ =	strace s9  }
0x27: {  	s1 =	sld [smem:$0x3FAF]  }
0x28: {  	s2 =	sld [smem:$0x3FB0]  }
0x29: {  	s4 =	sld [smem:$0x3FB2]  }
0x2a: {  	p0 =	seq.s32 s5, $0x0;
	s5 =	sld [smem:$0x3FB3]  }
0x2b: {  	s6 =	sld [smem:$0x3FB4]  }
0x2c: {  	s7 =	sld [smem:$0x3FB5]  }
0x2d: {  	s3 =	simm.s32 $0x108;
	s8 =	sld [smem:$0x3FB6]  }
0x2e: {  	s3 =	simm.s32 @!p0 $0x1082;
	s9 =	sld [smem:$0x3FB7]  }
0x2f: {  	lr =	sadd.s32 s0, s3;
	s0 =	sld [smem:$0x3FAE]  }
0x30: {  	s3 =	sld [smem:$0x3FB1]  }
0x31: {  	[smem:$0x3FBA] =	sst s10  }
0x32: {  	s10 =	sld [smem:$0x3FB8];
	_ =	sdelay $0x3  }
0x33: {  	p0 =	seq.s32 s10, $0x1;
	s10 =	sld [smem:$0x3FBA];
	_ =	sdelay $0x3  }
0x34: {  	[smem:$0x3FBA] =	sst s10  }
0x35: {  	s10 =	sld [smem:$0x3FB9];
	_ =	sdelay $0x3  }
0x36: {  	p1 =	seq.s32 s10, $0x1;
	s10 =	sld [smem:$0x3FBA];
	_ =	sdelay $0x3  }
0x37: {  	[smem:$0x3FBA] =	sst s10  }
0x38: {  	s10 =	sld [smem:$0x3FBB]  }
0x39: {  	_ = 	snop;
	(pc) =	sbr.ind lr, $3  }
0x3a: {  	_ = 	snop  }
0x3b: {  	_ = 	snop  }
0x3c: {  	p2 =	seq.s32 s10, $0x1;
	s10 =	sld [smem:$0x3FBA]  }
0x3d: {  	_ =	shalt  }
0x3e: {  	_ =	shalt  }
0x3f: {  	_ =	shalt  }
0x40: {  	_ =	shalt  }
0x41: {  	_ =	shalt  }
0x42: {  	_ =	shalt  }
0x43: {  	_ =	shalt  }
0x44: {  	_ =	shalt  }
0x45: {  	_ =	shalt  }
0x46: {  	_ =	shalt  }
0x47: {  	_ =	shalt  }
0x48: {  	_ =	shalt  }
0x49: {  	_ =	shalt  }
0x4a: {  	_ =	shalt  }
0x4b: {  	_ =	shalt  }
0x4c: {  	_ =	shalt  }
0x4d: {  	_ =	shalt  }
0x4e: {  	_ =	shalt  }
0x4f: {  	_ =	shalt  }
0x50: {  	_ =	shalt  }
0x51: {  	_ =	shalt  }
0x52: {  	_ =	shalt  }
0x53: {  	_ =	shalt  }
0x54: {  	_ =	shalt  }
0x55: {  	_ =	shalt  }
0x56: {  	_ =	shalt  }
0x57: {  	_ =	shalt  }
0x58: {  	_ =	shalt  }
0x59: {  	_ =	shalt  }
0x5a: {  	_ =	shalt  }
0x5b: {  	_ =	shalt  }
0x5c: {  	_ =	shalt  }
0x5d: {  	_ =	shalt  }
0x5e: {  	_ =	shalt  }
0x5f: {  	_ =	shalt  }
0x60: {  	_ =	shalt  }
0x61: {  	_ =	shalt  }
0x62: {  	_ =	shalt  }
0x63: {  	_ =	shalt  }
0x64: {  	_ =	shalt  }
0x65: {  	_ =	shalt  }
0x66: {  	_ =	shalt  }
0x67: {  	_ =	shalt  }
0x68: {  	_ =	shalt  }
0x69: {  	_ =	shalt  }
0x6a: {  	_ =	shalt  }
0x6b: {  	_ =	shalt  }
0x6c: {  	_ =	shalt  }
0x6d: {  	_ =	shalt  }
0x6e: {  	_ =	shalt  }
0x6f: {  	_ =	shalt  }
0x70: {  	_ =	shalt  }
0x71: {  	_ =	shalt  }
0x72: {  	_ =	shalt  }
0x73: {  	_ =	shalt  }
0x74: {  	_ =	shalt  }
0x75: {  	_ =	shalt  }
0x76: {  	_ =	shalt  }
0x77: {  	_ =	shalt  }
0x78: {  	_ =	shalt  }
0x79: {  	_ =	shalt  }
0x7a: {  	_ =	shalt  }
0x7b: {  	_ =	shalt  }
0x7c: {  	_ =	shalt  }
0x7d: {  	_ =	shalt  }
0x7e: {  	_ =	shalt  }
0x7f: {  	_ =	shalt  }
0x80: {  	_ =	shalt  }
0x81: {  	_ =	shalt  }
0x82: {  	_ =	shalt  }
0x83: {  	_ =	shalt  }
0x84: {  	_ =	shalt  }
0x85: {  	_ =	shalt  }
0x86: {  	_ =	shalt  }
0x87: {  	_ =	shalt  }
.Lfunc_end0:
.L_simem_size_0:
called_computation_lowered:
.L_overlay_start_0:
0x88: {  	s2 =	sld [smem:$0x3FD9]  }
0x89: {  	s3 =	sld [smem:$0x3FFE];
	_ =	sdelay $0x1  }
0x8a: {  	s1 =	srdreg.scid  }
0x8b: {  	s0 =	sand.u32 $0x1, s1  }
0x8c: {  	s14 =	sshll.u32 s0, $0xA;
	s2 =	sadd.s32 s3, s2  }
0x8d: {  	s2 =	sadd.s32 s2, s14  }
0x8e: {  	[smem:$0x3FC6] =	sst s2  }
0x8f: {  	_ = 	snop  }
0x90: {  	s2 =	sld [smem:$0x3FD0];
	_ =	sdelay $0x2  }
0x91: {  	s15 =	simm.s32 $0xA;
	s4 =	simm.s32 $0x10  }
0x92: {  	[smem:s4], [sflag:s15] =	dma.local [hbm:s2], $0x1  }
0x93: {  	_ =	swait.eq [sflag:s15], $0x1  }
0x94: {  	s16 =	sld [smem:$0x10];
	[sflag:s15] =	ssyncset.done $0x0  }
0x95: {  	s17 =	sld [smem:$0x11];
	[sflag:s15] =	ssyncadd.s32 $0xFFFFFFFF  }
0x96: {  	s18 =	sld [smem:$0x12];
	(tm) =	ssettm $0x1  }
0x97: {  	s5 =	sld [smem:$0x3FFB];
	_ =	sdelay $0x3  }
0x98: {  	_ =	strace s5  }
0x99: {  	s5 =	sld [smem:$0x3FFC];
	_ =	sdelay $0x3  }
0x9a: {  	_ =	strace s5  }
0x9b: {  	s5 =	sld [smem:$0x3FFD];
	_ =	sdelay $0x3  }
0x9c: {  	_ =	strace s5  }
0x9d: {  	_ =	strace $0x8FFFFFFF  }
0x9e: {  	s19 =	sld [smem:$0x3FDB];
	_ =	sdelay $0x1  }
0x9f: {  	s6 =	simm.s32 $_scs_section_size  }
0xa0: {  	s7 =	simm.s32 $_size__tile_overlayer_lowered;
	s8 =	simm.s32 $_tile_overlayer_lowered  }
0xa1: {  	s22 =	simm.s32 $0x1BFF;
	s21 =	sshll.u32 s8, $0x1;
	s5 =	sadd.s32 s6, s19  }
0xa2: {  	s9 =	simm.s32 $0x0;
	s20 =	sshll.u32 s7, $0x1;
	s7 =	sadd.s32 s21, s5  }
0xa3: {  	[timem:s9], [sflag:s22] =	dma.local [hbm:s7], s20  }
0xa4: {  	_ =	swait.ge [sflag:s22], s20  }
0xa5: {  	s6 =	ssub.s32 $0x0, s20;
	[sflag:s22] =	ssyncset.done $0x0  }
0xa6: {  	[sflag:s22] =	ssyncadd.s32 s6;
	_ =	sdelay $0x1  }
0xa7: {  	s23 =	simm.s32 $0x1B8B  }
0xa8: {  	_ =	swait.ge [sflag:s23], $0x1  }
0xa9: {  	[sflag:s23] =	ssyncset.done $0x0  }
0xaa: {  	s25 =	simm.s32 $0x1B8E;
	s24 =	sld [smem:$0x3FFE];
	[sflag:s23] =	ssyncadd.s32 $0xFFFFFFFF  }
0xab: {  	s26 =	simm.s32 $execute0_lowered;
	[smem:$0x3FD2] =	sst s25  }
0xac: {  	s7 =	sshll.u32 s26, $0x1;
	_ =	strace $0x80000046;
	[dreg:$0x1] =	wrdreg $0xFFFFFFFF  }
0xad: {  	s28 =	simm.s32 $_size_execute0_lowered;
	s5 =	sadd.s32 s5, s7;
	[dreg:$0x0] =	wrdreg $0x0  }
0xae: {  	s7 =	sshll.u32 s28, $0x1;
	[dreg:$0x2] =	wrdreg s5  }
0xaf: {  	[dreg:$0x3] =	wrdreg s7  }
0xb0: {  	[dreg:$0x4] =	wrdreg $0xC0  }
0xb1: {  	_ =	task [dreg:s9], $0x5FFFF  }
0xb2: {  	[dreg:$0x1] =	wrdreg $0xFFFFFFFF  }
0xb3: {  	[dreg:$0x0] =	wrdreg $0x60  }
0xb4: {  	[dreg:$0x2] =	wrdreg s16  }
0xb5: {  	[dreg:$0x3] =	wrdreg s24  }
0xb6: {  	[dreg:$0x4] =	wrdreg s18  }
0xb7: {  	[dreg:$0x5] =	wrdreg s17  }
0xb8: {  	[dreg:$0x6] =	wrdreg $0x9  }
0xb9: {  	_ =	task.clear_ibuf [dreg:s9], $0x7FFFF;
	_ =	strace $0x90000046  }
0xba: {  	s29 =	simm.s32 $0x9;
	_ =	strace $0x80000048  }
0xbb: {  	_ =	swait.ge [sflag:s29], $0x1  }
0xbc: {  	[sflag:s29] =	ssyncadd.s32 $0xFFFFFFFF  }
0xbd: {  	_ =	strace $0x90000048  }
0xbe: {  	_ =	sfence  }
0xbf: {  	s30 =	sld [smem:$0x0];
	_ =	sdelay $0x2  }
0xc0: {  	s31 =	sshll.u32 s1, $0xD;
	s1 =	sshrl.u32 s1, $0x2  }
0xc1: {  	s3 =	sand.u32 $0x4000, s31;
	s1 =	sadd.s32 s1, s30  }
0xc2: {  	s0 =	sor.u32 s3, s0;
	s1 =	sshll.u32 s1, $0x11  }
0xc3: {  	s0 =	sor.u32 s1, s0  }
0xc4: {  	s0 =	sadd.s32 $0x8F2B, s0  }
0xc5: {  	[sflag:s0] =	ssyncadd.remote.s32 $0x1  }
0xc6: {  	_ =	sfence.sel $0xFFFF  }
0xc7: {  	[dreg:$0x0] =	wrdreg $0xFFFFFFFF;
	(pc) =	sbr.abs _section_cstart, $3  }
0xc8: {  	[dreg:$0x1] =	wrdreg $0xFFFFFFFF  }
0xc9: {  	_ =	task.clear_ibuf [dreg:s9], $0x2FFFF;
	_ =	strace $0x9FFFFFFF  }
0xca: {  	(tm) =	ssettm $0x7FFFFFFF  }
0xcb: {  	_ =	shalt  }
tec
execute0_lowered:
.L_overlay_start_1:
0x0: {  	(tag) =	ssettag $0x1  }
0x1: {  	s1 =	rddreg [dreg:$0x0]  }
0x2: {  	s0 =	rddreg [dreg:$0x1]  }
0x3: {  	s2 =	rddreg [dreg:$0x2]  }
0x4: {  	s10 =	rddreg [dreg:$0x3];
	s3 =	simm.s32 $0x0  }
0x5: {  	s4 =	srdreg.scid;
	[smem:$0x7FF] =	sst s3  }
0x6: {  	s5 =	stileid.u32;
	v0 =	vimm.f32 $2.000000000e+00;
	s13 =	simm.s32 $0x1;
	_ =	strace $0x80000047  }
0x7: {  	s14 =	simm.s32 $0x2100;
	s15 =	simm.s32 $0x4200;
	s16 =	simm.s32 $0x6300;
	(erf) = vrcp.f32 v0  }
0x8: {  	s17 =	simm.s32 $0x8400;
	s18 =	simm.s32 $0xA500;
	s20 =	simm.s32 $0xD000  }
0x9: {  	s21 =	simm.s32 $0xD800;
	s22 =	simm.s32 $0xD8F0;
	s23 =	simm.s32 $0xD9E0  }
0xa: {  	s24 =	simm.s32 $0x0;
	s6 =	sand.u32 $0x1, s4;
	s5 =	sshll.u32 s5, $0x1  }
0xb: {  	v1 =	vimm.s32 $0x53525150;
	s4 =	sadd.s32 $0xE00, s0;
	s8 =	sadd.s32 $0xC60, s1;
	s11 =	sor.u32 s6, s5;
	v0 =	vimm.s32 $0x76543210  }
.Ltmp0:
0xc: {  	v2 =	vimm.s32 $0x57565554;
	v1 =	vunpack.c.0.s8.s32 v1;
	s5 =	sadd.s32 $0x1400, s0;
	s6 =	ssub.s32 $0x2, s6;
	v0 =	vunpack.c.l.s4.s8 v0;
	(pc) =	sbr.rel .LBB2_1-.Ltmp0, $4  }
0xd: {  	v2 =	vunpack.c.0.s8.s32 v2;
	s7 =	sshll.u32 s11, $0x6;
	s30 =	sshrl.u32 s6, $0x1;
	s9 =	smul.u32 $0x140, s11  }
0xe: {  	vm0 =	vcmask $0x1F10;
	s31 =	sshll.u32 s11, $0x8;
	s0 =	sadd.s32 s7, s0;
	s12 =	ssub.s32 s6, s30;
	v3 =	vunpack.c.0.s8.s32 v0  }
0xf: {  	v2 =	vsel vm0, v2, v1;
	s6 =	sadd.s32 $0x420, s1;
	s7 =	sadd.s32 $0x840, s1;
	s10 =	sadd.s32 s10, s31;
	v0 =	vlaneseq.u32  }
0x10: {  	s9 =	sadd.s32 s2, s9;
	s11 =	sadd.s32 $0x1A00, s0;
	s12 =	smax.u32 s12, $0x1;
	v4 =	vadd.s32 $0xFFFFFFA8, v0;
	v2 =	vcombine.low v3, v2;
	v3 =	vimm.s32 $0x0;
	v1 =	vpop (erf)  }
.LBB2_27:
0x11: {  	s24 =	sadd.s32 $0x1, s24  }
0x12: {  	p0 =	sne.s32 s24, s12  }
.Ltmp1:
0x13: {  	_ = 	snop;
	(pc) =	sbr.rel @!p0 .LBB2_28-.Ltmp1, $4  }
0x14: {  	[hbm4b:s11+s3] =	stream.linear.scatter [tilespmem:s23], [sflag:$0x1], $0x200, $0x38;
	[tilespmem:$0xDBF0] =	vst v63  }
0x15: {  	_ =	swait.ge [sflag:s13], $0x200  }
0x16: {  	[sflag:s13] =	ssyncset.done $0x0  }
0x17: {  	[sflag:s13] =	ssyncadd.s32 $0xFFFFFE00  }
.LBB2_1:
0x18: {  	[tilespmem:s3], [sflag:$0x1] =	stream.linear.gather [hbm4b:s1+s3], $0x2100, $0x38;
	[tilespmem:$0xDBF0] =	vst v63  }
0x19: {  	_ =	swait.ge [sflag:s13], $0x2100  }
0x1a: {  	[sflag:s13] =	ssyncset.done $0x0  }
0x1b: {  	[sflag:s13] =	ssyncadd.s32 $0xFFFFDF00  }
0x1c: {  	[tilespmem:s14], [sflag:$0x1] =	stream.linear.gather [hbm4b:s6+s3], $0x2100, $0x38;
	[tilespmem:$0xDBF0] =	vst v63  }
0x1d: {  	_ =	swait.ge [sflag:s13], $0x2100  }
0x1e: {  	[sflag:s13] =	ssyncset.done $0x0  }
0x1f: {  	[sflag:s13] =	ssyncadd.s32 $0xFFFFDF00  }
0x20: {  	[tilespmem:s15], [sflag:$0x1] =	stream.linear.gather [hbm4b:s7+s3], $0x2100, $0x38;
	[tilespmem:$0xDBF0] =	vst v63  }
0x21: {  	_ =	swait.ge [sflag:s13], $0x2100  }
0x22: {  	[sflag:s13] =	ssyncset.done $0x0  }
0x23: {  	[sflag:s13] =	ssyncadd.s32 $0xFFFFDF00  }
0x24: {  	[tilespmem:s16], [sflag:$0x1] =	stream.linear.gather [hbm4b:s8+s3], $0x2100, $0x38;
	[tilespmem:$0xDBF0] =	vst v63  }
0x25: {  	_ =	swait.ge [sflag:s13], $0x2100  }
0x26: {  	[sflag:s13] =	ssyncset.done $0x0  }
0x27: {  	[sflag:s13] =	ssyncadd.s32 $0xFFFFDF00  }
0x28: {  	[tilespmem:s17], [sflag:$0x1] =	stream.linear.gather [hbm4b:s4+s3], $0x2100, $0x38;
	[tilespmem:$0xDBF0] =	vst v63  }
0x29: {  	_ =	swait.ge [sflag:s13], $0x2100  }
0x2a: {  	[sflag:s13] =	ssyncset.done $0x0  }
0x2b: {  	[sflag:s13] =	ssyncadd.s32 $0xFFFFDF00  }
0x2c: {  	[tilespmem:s18], [sflag:$0x1] =	stream.linear.gather [hbm4b:s5+s3], $0x2100, $0x38;
	[tilespmem:$0xDBF0] =	vst v63  }
0x2d: {  	_ =	swait.ge [sflag:s13], $0x2100  }
0x2e: {  	[sflag:s13] =	ssyncset.done $0x0  }
0x2f: {  	s0 =	simm.s32 $0xC600;
	[sflag:s13] =	ssyncadd.s32 $0xFFFFDF00  }
0x30: {  	[tilespmem:s0], [sflag:$0x1] =	stream.linear.gather [hbm4b:s9+s3], $0xA00, $0x38;
	[tilespmem:$0xDBF0] =	vst v63  }
0x31: {  	_ =	swait.ge [sflag:s13], $0xA00  }
0x32: {  	[sflag:s13] =	ssyncset.done $0x0  }
.Ltmp2:
0x33: {  	[sflag:s13] =	ssyncadd.s32 $0xFFFFF600;
	(pc) =	sbr.rel .LBB2_2-.Ltmp2, $4  }
0x34: {  	[tilespmem:s20], [sflag:$0x1] =	stream.linear.gather [hbm4b:s10+s3], $0x800, $0x38;
	[tilespmem:$0xDBF0] =	vst v63  }
0x35: {  	_ =	swait.ge [sflag:s13], $0x800  }
0x36: {  	[sflag:s13] =	ssyncset.done $0x0  }
0x37: {  	s25 =	simm.s32 $0x0;
	[sflag:s13] =	ssyncadd.s32 $0xFFFFF800  }
.LBB2_18:
0x38: {  	v9 =	vimm.s32 $0x0  }
.LBB2_26:
0x39: {  	_ =	sdelay $0x3  }
0x3a: {  	v10 =	vld.idx.msk [tilespmem:v9+s3+$0x0], $0xffff  }
0x3b: {  	v11 =	vld.idx.msk [tilespmem:v9+s15+$0x0], $0xffff  }
0x3c: {  	v12 =	vld.idx.msk [tilespmem:v9+s16+$0x0], $0xffff  }
0x3d: {  	v60 =	vld.idx.msk [tilespmem:v9+s14+$0x0], $0xffff;
	_ =	sdelay $0x2  }
0x3e: {  	v13 =	vmin.f32 v7, v11;
	v14 =	vmax.f32 v6, v10  }
0x3f: {  	v15 =	vmin.f32 v8, v12;
	v6 =	vsub.f32 v7, v6;
	v7 =	vsub.f32 v8, v5  }
0x40: {  	v5 =	vmax.f32 v5, v60;
	v61 =	vsub.f32 v11, v10;
	v9 =	vsub.f32 v12, v60  }
0x41: {  	v62 =	vsub.f32 v13, v14;
	v5 =	vsub.f32 v15, v5;
	v6 =	vmax.f32 v6, $0.0e+00  }
0x42: {  	v7 =	vmax.f32 v7, $0.0e+00;
	v8 =	vmax.f32 v61, $0.0e+00;
	v9 =	vmax.f32 v9, $0.0e+00  }
0x43: {  	v6 =	vmul.f32 v7, v6;
	v7 =	vmul.f32 v9, v8  }
0x44: {  	v63 =	vmax.f32 v62, $0.0e+00;
	v5 =	vmax.f32 v5, $0.0e+00  }
0x45: {  	v5 =	vmul.f32 v5, v63;
	v6 =	vadd.f32 v7, v6;
	_ =	sdelay $0x1  }
0x46: {  	v6 =	vsub.f32 v6, v5;
	_ =	sdelay $0x1  }
0x47: {  	v6 =	vadd.f32 $9.999999710e-10, v6;
	_ =	sdelay $0x1  }
0x48: {  	(erf) = vrcp.f32 v6;
	_ =	sdelay $0x6  }
0x49: {  	s25 =	sadd.s32 $0x1, s25  }
0x4a: {  	p0 =	sne.s32 s25, $0x20  }
.Ltmp3:
0x4b: {  	v6 =	vpop (erf);
	(pc) =	sbr.rel @!p0 .LBB2_27-.Ltmp3, $4  }
0x4c: {  	v5 =	vmul.f32 v6, v5  }
0x4d: {  	vm0 =	vmmov $0x1ff  }
0x4e: {  	s0 =	sshrl.u32 s26, $0x2;
	v5 =	vnsel vm0, $0x0, v5  }
0x4f: {  	[tilespmem:s0+$0xD9E0] =	vst v5  }
.LBB2_2:
0x50: {  	s26 =	sshll.u32 s25, $0x6  }
0x51: {  	v6 =	vld [tilespmem:s26+$0xD000]  }
0x52: {  	v5 =	vld [tilespmem:s26+$0xD010]  }
0x53: {  	v7 =	vld [tilespmem:s26+$0xD020]  }
0x54: {  	v8 =	vld [tilespmem:s26+$0xD030];
	_ =	sdelay $0x2  }
0x55: {  	v11 =	vld.idx.msk [tilespmem:v2+s17+$0x0], $0xffff  }
0x56: {  	v12 =	vld.idx.msk [tilespmem:v2+s18+$0x0], $0xffff  }
0x57: {  	v9 =	vadd.f32 v7, v6;
	v10 =	vadd.f32 v8, v5;
	_ =	sdelay $0x1  }
0x58: {  	v9 =	vmul.f32 v9, v1;
	v10 =	vmul.f32 v10, v1;
	_ =	sdelay $0x1  }
0x59: {  	v11 =	vsub.f32 v9, v11;
	v12 =	vsub.f32 v10, v12;
	_ =	sdelay $0x1  }
0x5a: {  	v11 =	vmul.f32 v11, v11;
	v12 =	vmul.f32 v12, v12;
	_ =	sdelay $0x1  }
0x5b: {  	v11 =	vadd.f32 v12, v11;
	_ =	sdelay $0x1  }
0x5c: {  	(xrf1) =	vsort.ascd.msk.f32 $0xffff, v11, v2;
	_ =	sdelay $0xb  }
0x5d: {  	s0 =	smul.u32 $0x140, s25  }
.Ltmp4:
0x5e: {  	_ = 	snop;
	(pc) =	sbr.rel .LBB2_3-.Ltmp4, $4  }
0x5f: {  	v11, v12, _ =	vpop (xrf1)  }
0x60: {  	s0 =	sshra.s32 s0, $0x2;
	[tilespmem:$0xD800] =	vst v11;
	v11 =	vbroadcast v11, $0x8  }
0x61: {  	s31 =	simm.s32 $0x10;
	s0 =	sadd.s32 $0xC600, s0;
	[tilespmem:$0xD8F0] =	vst v12  }
0x62: {  	s28 =	simm.s32 $0x0;
	[smem:$0x0] =	sst s31;
	[tilespmem:$0xDBE0] =	vst v11;
	v11 =	vmov s0  }
.LBB2_16:
0x63: {  	s28 =	sadd.s32 $0x1, s28  }
0x64: {  	p0 =	sne.s32 s28, $0x5  }
.Ltmp5:
0x65: {  	_ = 	snop;
	(pc) =	sbr.rel @!p0 .LBB2_17-.Ltmp5, $1  }
0x66: {  	_ =	sdelay $0x3  }
.LBB2_3:
0x67: {  	_ =	sdelay $0x2  }
0x68: {  	s29 =	sshll.u32 s28, $0x4;
	v13 =	vld [tilespmem:$0xDBE0]  }
0x69: {  	v12 =	vld.idx.msk [tilespmem:v11+s29+$0x0 ss:$0x1], $0xffff;
	_ =	sdelay $0x4  }
0x6a: {  	vm0 =	vlt.f32 v12, v13  }
0x6b: {  	v12 =	vsel vm0, $0x1, v3  }
0x6c: {  	(xrf0) =	vadd.scan.msk.s32 $0xffff, v12;
	_ =	sdelay $0x5  }
0x6d: {  	v13, _, _ =	vpop (xrf0)  }
0x6e: {  	(v2sf) =	vpush v13, $0xF;
	_ =	sdelay $0xe  }
0x6f: {  	s0 =	spop (v2sf)  }
0x70: {  	p0 =	slt.s32 s0, $0x1  }
.Ltmp6:
0x71: {  	_ = 	snop;
	(pc) =	sbr.rel @!p0 .LBB2_4-.Ltmp6, $4  }
.Ltmp7:
0x72: {  	_ = 	snop;
	(pc) =	sbr.rel @p0 .LBB2_16-.Ltmp7, $4  }
0x73: {  	_ = 	snop  }
0x74: {  	_ = 	snop  }
0x75: {  	_ = 	snop  }
0x76: {  	_ = 	snop  }
.LBB2_6:
0x77: {  	v14 =	vimm.s32 $0x0;
	v15 =	vimm.f32 $+Inf  }
.LBB2_14:
0x78: {  	[tilespmem:$0xD800] =	vst v15;
	v15 =	vbroadcast v15, $0x8  }
0x79: {  	[tilespmem:$0xD8F0] =	vst v14;
	s31 =	simm.s32 $0x10  }
0x7a: {  	[smem:$0x0] =	sst s31;
	[tilespmem:$0xDBE0] =	vst v15  }
.LBB2_15:
0x7b: {  	v13 =	vbroadcast v13, $0x0;
	_ =	sdelay $0x1  }
0x7c: {  	vm0 =	veq.s32 v13, v0  }
0x7d: {  	v12 =	vsel vm0, $0x0, v12  }
0x7e: {  	(xrf0) =	vadd.scan.msk.s32 $0xffff, v12;
	_ =	sdelay $0x5  }
0x7f: {  	v13, _, _ =	vpop (xrf0)  }
0x80: {  	(v2sf) =	vpush v13, $0xF;
	_ =	sdelay $0xe  }
0x81: {  	s0 =	spop (v2sf)  }
0x82: {  	p0 =	sgt.s32 s0, $0x0  }
.Ltmp8:
0x83: {  	_ = 	snop;
	(pc) =	sbr.rel @!p0 .LBB2_16-.Ltmp8, $1  }
0x84: {  	_ =	sdelay $0x3  }
.LBB2_4:
0x85: {  	vm0 =	vne.s32 v12, $0x0  }
0x86: {  	v13 =	vmctz.xlane vm0;
	_ =	sdelay $0x1  }
0x87: {  	(v2sf) =	vpush v13, $0x0;
	_ =	sdelay $0xe  }
0x88: {  	s0 =	spop (v2sf)  }
0x89: {  	s0 =	sadd.s32 s29, s0  }
0x8a: {  	s30 =	sshll.u32 s0, $0x7  }
0x8b: {  	v14 =	vld [tilespmem:s30+$0x8400]  }
0x8c: {  	v15 =	vld [tilespmem:s30+$0xA500]  }
0x8d: {  	v16 =	vld [tilespmem:s30+$0x8410]  }
0x8e: {  	v17 =	vld [tilespmem:s30+$0xA510]  }
0x8f: {  	v18 =	vld [tilespmem:s30+$0x8420]  }
0x90: {  	v19 =	vld [tilespmem:s30+$0xA520]  }
0x91: {  	v20 =	vld [tilespmem:s30+$0x8430]  }
0x92: {  	v21 =	vld [tilespmem:s30+$0xA530]  }
0x93: {  	v25 =	vld [tilespmem:s30+$0xA540]  }
0x94: {  	s0 =	sor.u32 $0x10, s30;
	v27 =	vld [tilespmem:s30+$0x8450];
	v14 =	vsub.f32 v9, v14  }
0x95: {  	s2 =	sor.u32 $0x30, s30;
	v63 =	vld [tilespmem:s30+$0xA550];
	v24 =	vadd.s32 s0, v4;
	v15 =	vsub.f32 v10, v15;
	v16 =	vsub.f32 v9, v16  }
0x96: {  	v29 =	vld [tilespmem:s30+$0x8460];
	v61 =	vadd.s32 s2, v4;
	v17 =	vsub.f32 v10, v17;
	v18 =	vsub.f32 v9, v18  }
0x97: {  	v32 =	vld [tilespmem:s30+$0xA560];
	vm2 =	vlt.u32 v24, $0xFFFFFFF8;
	v19 =	vsub.f32 v10, v19;
	v60 =	vsub.f32 v9, v20  }
0x98: {  	vm5 =	vlt.u32 v61, $0xFFFFFFF8;
	v21 =	vsub.f32 v10, v21;
	v62 =	vsub.f32 v10, v25  }
0x99: {  	v36 =	vsub.f32 v9, v27;
	v14 =	vmul.f32 v14, v14;
	v15 =	vmul.f32 v15, v15  }
0x9a: {  	v25 =	vsub.f32 v10, v63;
	v23 =	vmul.f32 v16, v16;
	v17 =	vmul.f32 v17, v17  }
0x9b: {  	v38 =	vsub.f32 v9, v29;
	v18 =	vmul.f32 v18, v18;
	v19 =	vmul.f32 v19, v19  }
0x9c: {  	v59 =	vld [tilespmem:s30+$0x8440];
	v39 =	vsub.f32 v10, v32;
	v24 =	vmul.f32 v60, v60;
	v21 =	vmul.f32 v21, v21  }
0x9d: {  	v16 =	vor.u32 s0, v0;
	v25 =	vmul.f32 v25, v25;
	v42 =	vmul.f32 v38, v38  }
0x9e: {  	v22 =	vld [tilespmem:$0xDBE0];
	v43 =	vmul.f32 v39, v39;
	vm12 =	vgt.s32 v16, $0x7;
	v15 =	vadd.f32 v15, v14  }
0x9f: {  	s19 =	sor.u32 $0x20, s30;
	v14 =	vor.u32 s30, v0;
	v17 =	vadd.f32 v17, v23;
	v20 =	vadd.f32 v19, v18  }
0xa0: {  	v18 =	vor.u32 s19, v0;
	v19 =	vor.u32 s2, v0;
	v21 =	vadd.f32 v21, v24  }
0xa1: {  	v23 =	vsub.f32 v9, v59;
	s19 =	sor.u32 $0x40, s30;
	v24 =	vmul.f32 v62, v62;
	vm11 =	vgt.s32 v14, $0x7  }
0xa2: {  	s2 =	sor.u32 $0x50, s30;
	vm14 =	vgt.s32 v18, $0x7;
	vm4 =	vgt.s32 v19, $0x7;
	v31 =	vor.u32 s19, v0  }
0xa3: {  	v35 =	vadd.s32 s19, v4;
	v27 =	vor.u32 s2, v0;
	vm1 =	vlt.f32 v15, v22  }
0xa4: {  	v40 =	vadd.s32 s2, v4;
	vm13 =	vlt.f32 v17, v22;
	vm0 =	vmand vm1, vm11  }
0xa5: {  	vm3 =	vlt.f32 v20, v22;
	vm15 =	vmand vm4, vm5;
	v26 =	vsel vm0, $0x1, v3  }
0xa6: {  	vm8 =	vlt.f32 v21, v22;
	v23 =	vmul.f32 v23, v23;
	vm1 =	vmand vm12, vm2;
	(xrf0) =	vadd.scan.msk.s32 $0xffff, v26  }
0xa7: {  	s19 =	sor.u32 $0x60, s30;
	vm9 =	vgt.s32 v31, $0x7;
	vm10 =	vlt.u32 v35, $0xFFFFFFF8;
	vm1 =	vmand vm13, vm1  }
0xa8: {  	v44 =	vld [tilespmem:s30+$0x8470];
	vm6 =	vlt.u32 v40, $0xFFFFFFF8;
	v33 =	vor.u32 s19, v0;
	v28 =	vsel vm1, $0x1, v3  }
0xa9: {  	vm2 =	vmand vm14, vm3;
	vm3 =	vmand vm15, vm8;
	vm4 =	vmand vm9, vm10;
	(xrf0) =	vadd.scan.msk.s32 $0xffff, v28  }
0xaa: {  	v46 =	vld [tilespmem:s30+$0xA570];
	v30 =	vsel vm2, $0x1, v3;
	v23 =	vadd.f32 v24, v23;
	v24 =	vmul.f32 v36, v36  }
0xab: {  	vm12 =	vgt.s32 v27, $0x7;
	vm14 =	vgt.s32 v33, $0x7;
	v37 =	vsel vm3, $0x1, v3;
	(xrf0) =	vadd.scan.msk.s32 $0xffff, v30  }
0xac: {  	vm5 =	vmand vm12, vm6;
	vm11 =	vlt.f32 v23, v22;
	v24 =	vadd.f32 v25, v24;
	v41, _, _ =	vpop (xrf0);
	(xrf0) =	vadd.scan.msk.s32 $0xffff, v37  }
0xad: {  	v26 =	vsub.f32 v9, v44;
	v25 =	vadd.f32 v43, v42;
	vm4 =	vmand vm4, vm11  }
0xae: {  	vm13 =	vlt.f32 v24, v22;
	v45 =	vsel vm4, $0x1, v3;
	(v2sf) =	vpush v41, $0xF  }
0xaf: {  	v28 =	vsub.f32 v10, v46;
	vm7 =	vlt.f32 v25, v22;
	vm5 =	vmand vm5, vm13;
	v47, _, _ =	vpop (xrf0);
	(xrf0) =	vadd.scan.msk.s32 $0xffff, v45  }
0xb0: {  	vm6 =	vmand vm14, vm7;
	v48 =	vsel vm5, $0x1, v3;
	(v2sf) =	vpush v47, $0xF  }
0xb1: {  	v26 =	vmul.f32 v26, v26;
	v28 =	vmul.f32 v28, v28;
	v49 =	vsel vm6, $0x1, v3;
	v34, _, _ =	vpop (xrf0);
	(xrf0) =	vadd.scan.msk.s32 $0xffff, v48  }
0xb2: {  	(v2sf) =	vpush v34, $0xF;
	v35, _, _ =	vpop (xrf0);
	(xrf0) =	vadd.scan.msk.s32 $0xffff, v49  }
0xb3: {  	s2 =	sor.u32 $0x70, s30;
	v26 =	vadd.f32 v28, v26  }
0xb4: {  	v51 =	vor.u32 s2, v0;
	(v2sf) =	vpush v35, $0xF  }
0xb5: {  	vm15 =	vgt.s32 v51, $0x7;
	vm8 =	vlt.f32 v26, v22;
	v50, _, _ =	vpop (xrf0)  }
0xb6: {  	vm7 =	vmand vm15, vm8;
	(v2sf) =	vpush v50, $0xF  }
0xb7: {  	v52 =	vsel vm7, $0x1, v3;
	v36, _, _ =	vpop (xrf0)  }
0xb8: {  	(v2sf) =	vpush v36, $0xF;
	v37, _, _ =	vpop (xrf0);
	(xrf0) =	vadd.scan.msk.s32 $0xffff, v52;
	_ =	sdelay $0x1  }
0xb9: {  	s19 =	sld [smem:$0x0];
	(v2sf) =	vpush v37, $0xF;
	_ =	sdelay $0x2  }
0xba: {  	v53 =	vmov s19;
	s2 =	spop (v2sf)  }
0xbb: {  	v22 =	vadd.s32 $0xFFFFFFFF, v53;
	s0 =	sadd.s32 s2, s19;
	v39, _, _ =	vpop (xrf0)  }
0xbc: {  	v22 =	vbroadcast v22, $0x0;
	s30 =	spop (v2sf);
	v38 =	vmov s0;
	(v2sf) =	vpush v39, $0xF  }
0xbd: {  	s0 =	sadd.s32 s30, s0;
	v38 =	vadd.s32 $0xFFFFFFFF, v38  }
0xbe: {  	v22 =	vadd.s32 v41, v22;
	s19 =	spop (v2sf);
	v54 =	vmov s0;
	v38 =	vbroadcast v38, $0x0  }
0xbf: {  	s0 =	sadd.s32 s19, s0;
	v30 =	vadd.s32 $0xFFFFFFFF, v54  }
0xc0: {  	v55 =	vmov s0;
	v30 =	vbroadcast v30, $0x0;
	v32 =	vadd.s32 v47, v38;
	s30 =	spop (v2sf)  }
0xc1: {  	v38 =	vadd.s32 $0xFFFFFFFF, v55;
	s0 =	sadd.s32 s30, s0  }
0xc2: {  	s19 =	spop (v2sf);
	v30 =	vadd.s32 v34, v30;
	v56 =	vbroadcast v38, $0x0;
	v57 =	vmov s0  }
0xc3: {  	[tilespmem:v22+s21+$0x0] =	vst.idx.msk vm0, v15;
	s0 =	sadd.s32 s19, s0;
	v15 =	vadd.s32 $0xFFFFFFFF, v57  }
0xc4: {  	[tilespmem:v22+s22+$0x0] =	vst.idx.msk vm0, v14;
	s30 =	spop (v2sf);
	v14 =	vadd.s32 v35, v56;
	v58 =	vmov s0;
	v15 =	vbroadcast v15, $0x0  }
0xc5: {  	s0 =	sadd.s32 s30, s0;
	v59 =	vadd.s32 $0xFFFFFFFF, v58;
	[tilespmem:v32+s21+$0x0] =	vst.idx.msk vm1, v17  }
0xc6: {  	v61 =	vmov s0;
	v60 =	vbroadcast v59, $0x0;
	s19 =	spop (v2sf);
	[tilespmem:v32+s22+$0x0] =	vst.idx.msk vm1, v16;
	v15 =	vadd.s32 v50, v15  }
0xc7: {  	v17 =	vadd.s32 $0xFFFFFFFF, v61;
	[tilespmem:v30+s21+$0x0] =	vst.idx.msk vm2, v20;
	s0 =	sadd.s32 s19, s0  }
0xc8: {  	v17 =	vbroadcast v17, $0x0;
	v16 =	vadd.s32 v36, v60;
	[tilespmem:v30+s22+$0x0] =	vst.idx.msk vm2, v18;
	v62 =	vmov s0  }
0xc9: {  	[tilespmem:v14+s21+$0x0] =	vst.idx.msk vm3, v21;
	v18 =	vadd.s32 $0xFFFFFFFF, v62  }
0xca: {  	[tilespmem:v14+s22+$0x0] =	vst.idx.msk vm3, v19;
	v14 =	vadd.s32 v37, v17;
	v63 =	vbroadcast v18, $0x0  }
0xcb: {  	[tilespmem:v15+s21+$0x0] =	vst.idx.msk vm4, v23;
	s30 =	spop (v2sf)  }
0xcc: {  	[tilespmem:v15+s22+$0x0] =	vst.idx.msk vm4, v31;
	v15 =	vadd.s32 v39, v63;
	s31 =	sadd.s32 s0, s30  }
0xcd: {  	[tilespmem:v16+s21+$0x0] =	vst.idx.msk vm5, v24;
	p0 =	slt.s32 s31, $0x71  }
.Ltmp9:
0xce: {  	[tilespmem:v16+s22+$0x0] =	vst.idx.msk vm5, v27;
	(pc) =	sbr.rel @p0 .LBB2_15-.Ltmp9, $4  }
0xcf: {  	[tilespmem:v14+s21+$0x0] =	vst.idx.msk vm6, v25  }
0xd0: {  	[tilespmem:v14+s22+$0x0] =	vst.idx.msk vm6, v33  }
0xd1: {  	[tilespmem:v15+s21+$0x0] =	vst.idx.msk vm7, v26  }
0xd2: {  	[smem:$0x0] =	sst s31;
	[tilespmem:v15+s22+$0x0] =	vst.idx.msk vm7, v51  }
0xd3: {  	s0 =	sadd.s32 $0xF, s31  }
0xd4: {  	s2 =	sand.u32 $0xF, s0  }
0xd5: {  	s19 =	sshra.s32 s0, $0x1F;
	p0 =	slt.s32 s0, $0x0;
	p1 =	sne.s32 s2, $0x0  }
0xd6: {  	s30 =	sshrl.u32 s19, $0x1C;
	p0 =	por !p0, !p1  }
0xd7: {  	s2 =	simm.s32 $0x1;
	s0 =	sadd.s32 s30, s0;
	p0 =	por !p0, !p0  }
0xd8: {  	s0 =	sshra.s32 s0, $0x4;
	s2 =	simm.s32 @!p0 $0x0  }
0xd9: {  	s0 =	ssub.s32 s0, s2  }
0xda: {  	p0 =	slt.s32 s0, $0x1  }
.Ltmp10:
0xdb: {  	_ = 	snop;
	(pc) =	sbr.rel @p0 .LBB2_6-.Ltmp10, $1  }
0xdc: {  	_ =	sdelay $0x3  }
0xdd: {  	p2 =	sne.s32 s0, $0x1  }
.Ltmp11:
0xde: {  	_ = 	snop;
	(pc) =	sbr.rel @!p2 .LBB2_8-.Ltmp11, $4  }
0xdf: {  	_ = 	snop  }
0xe0: {  	s2 =	simm.s32 $0xD800  }
0xe1: {  	s19 =	simm.s32 $0xD8F0;
	s30 =	simm.s32 $0x0;
	v18 =	vld [tilespmem:s2+$0x0]  }
0xe2: {  	v16 =	vmov s31;
	v15 =	vimm.f32 $+Inf;
	v14 =	vimm.s32 $0x0;
	s0 =	sadd.s32 $0xFFFFFFFF, s0;
	p0 =	por $0x0, $0x0;
	p1 =	por $0x0, $0x0;
	v17 =	vld [tilespmem:s19+$0x0]  }
0xe3: {  	p2 =	sne.s32 s0, $0x1  }
.Ltmp12:
0xe4: {  	v19 =	vor.u32 s30, v0;
	(pc) =	sbr.rel @!p2 .LBB2_10-.Ltmp12, $4  }
0xe5: {  	vm0 =	vlt.s32 v19, v16  }
0xe6: {  	s2 =	simm.s32 $0xD810;
	v18 =	vnsel vm0, $0x7F800000, v18  }
0xe7: {  	s31 =	simm.s32 $0xD900;
	(xrf1) =	vsort.dscd.msk.f32 $0xffff, v18, v17;
	v18 =	vld [tilespmem:s2+$0x0]  }
0xe8: {  	s19 =	sadd.s32 $0xFFFFFFFF, s0;
	p0 =	por $0x1, $0x1;
	v17 =	vld [tilespmem:s31+$0x0]  }
0xe9: {  	_ =	sdelay $0x9  }
0xea: {  	s31 =	simm.s32 $0x10  }
0xeb: {  	v19 =	vor.u32 s31, v0  }
0xec: {  	vm0 =	vlt.s32 v19, v16;
	v20, v21, _ =	vpop (xrf1)  }
0xed: {  	v18 =	vnsel vm0, $0x7F800000, v18;
	vm15 =	vlt.f32 v20, v15  }
0xee: {  	(xrf1) =	vsort.dscd.msk.f32 $0xffff, v18, v17;
	v17 =	vsel vm15, v20, v15;
	v19 =	vsel vm15, v21, v14  }
0xef: {  	(xrf1) =	vsort.ascd.msk.f32 $0xffff, v17, v19;
	_ =	sdelay $0x5  }
0xf0: {  	p2 =	sne.s32 s19, $0x1  }
.Ltmp13:
0xf1: {  	_ = 	snop;
	(pc) =	sbr.rel @!p2 .LBB2_13-.Ltmp13, $4  }
0xf2: {  	_ = 	snop  }
0xf3: {  	s0 =	simm.s32 $0xD820  }
0xf4: {  	s2 =	simm.s32 $0xD910;
	v18 =	vld [tilespmem:s0+$0x0]  }
0xf5: {  	s19 =	sadd.s32 $0xFFFFFFFF, s19;
	p1 =	por $0x1, $0x1;
	v17 =	vld [tilespmem:s2+$0x0]  }
.LBB2_12:
0xf6: {  	p2 =	sne.s32 s19, $0x1;
	s31 =	sadd.s32 $0x10, s31  }
0xf7: {  	v23 =	vor.u32 s31, v0;
	v20, v21, _ =	vpop (xrf1)  }
0xf8: {  	vm0 =	vlt.s32 v23, v16;
	v19, v22, _ =	vpop (xrf1)  }
0xf9: {  	v18 =	vnsel vm0, $0x7F800000, v18;
	vm0 =	vlt.f32 v20, v19  }
0xfa: {  	(xrf1) =	vsort.dscd.msk.f32 $0xffff, v18, v17;
	v17 =	vsel vm0, v20, v19;
	v18 =	vsel vm0, v21, v22  }
0xfb: {  	(xrf1) =	vsort.ascd.msk.f32 $0xffff, v17, v18;
	_ =	sdelay $0x6  }
.Ltmp14:
0xfc: {  	(pc) =	sbr.rel @p2 .LBB2_12-.Ltmp14, $4  }
0xfd: {  	_ = 	snop  }
0xfe: {  	s0 =	sadd.s32 $0x10, s0  }
0xff: {  	s2 =	sadd.s32 $0x10, s2;
	v18 =	vld [tilespmem:s0+$0x0]  }
0x100: {  	s19 =	sadd.s32 $0xFFFFFFFF, s19;
	v17 =	vld [tilespmem:s2+$0x0]  }
.LBB2_13:
0x101: {  	s0 =	sadd.s32 @p0 $0x10, s31  }
0x102: {  	s30 =	smov.u32 @p0 s0;
	v19, v20, _ =	vpop @p0 (xrf1)  }
0x103: {  	v21 =	vor.u32 s30, v0;
	v22, v23, _ =	vpop @p1 (xrf1)  }
0x104: {  	vm0 =	vlt.s32 v21, v16;
	v16 =	vpsel p1, v22, v15  }
0x105: {  	v21 =	vpsel p1, v23, v14;
	v18 =	vnsel vm0, $0x7F800000, v18;
	vm0 =	vlt.f32 @p0 v19, v16  }
0x106: {  	(xrf1) =	vsort.dscd.msk.f32 $0xffff, v18, v17;
	v16 =	vsel @p0 vm0, v19, v16;
	v17 =	vsel @p0 vm0, v20, v21  }
0x107: {  	(xrf1) =	vsort.ascd.msk.f32 @p0 $0xffff, v16, v17;
	_ =	sdelay $0xc  }
0x108: {  	v16, v17, _ =	vpop (xrf1)  }
0x109: {  	v18, v19, _ =	vpop @p0 (xrf1)  }
0x10a: {  	v15 =	vpsel p0, v18, v15  }
0x10b: {  	v14 =	vpsel p0, v19, v14;
	vm15 =	vlt.f32 v16, v15  }
0x10c: {  	v15 =	vsel vm15, v16, v15;
	v14 =	vsel vm15, v17, v14  }
0x10d: {  	(xrf1) =	vsort.ascd.msk.f32 $0xffff, v15, v14;
	_ =	sdelay $0x9  }
.Ltmp15:
0x10e: {  	_ = 	snop;
	(pc) =	sbr.rel .LBB2_14-.Ltmp15, $2  }
0x10f: {  	_ =	sdelay $0x2  }
0x110: {  	v15, v14, _ =	vpop (xrf1)  }
.LBB2_8:
.Ltmp16:
0x111: {  	(pc) =	sbr.rel .LBB2_13-.Ltmp16, $2  }
0x112: {  	_ =	sdelay $0x2  }
0x113: {  	s31 =	simm.s32 $0x0  }
.LBB2_10:
.Ltmp17:
0x114: {  	(pc) =	sbr.rel .LBB2_13-.Ltmp17, $2  }
0x115: {  	_ =	sdelay $0x2  }
0x116: {  	s31 =	simm.s32 $0x0  }
.LBB2_17:
0x117: {  	s0 =	sadd.s32 $0xF, s31  }
0x118: {  	s2 =	sand.u32 $0xF, s0  }
0x119: {  	p0 =	slt.s32 s31, $0xFFFFFFF2;
	s19 =	sshra.s32 s0, $0x1F;
	p1 =	sne.s32 s2, $0x0  }
0x11a: {  	s30 =	sshrl.u32 s19, $0x1C;
	p0 =	por !p0, !p1  }
0x11b: {  	s2 =	simm.s32 $0x1;
	s0 =	sadd.s32 s30, s0;
	p0 =	por !p0, !p0  }
0x11c: {  	s0 =	sshra.s32 s0, $0x4;
	s2 =	simm.s32 @!p0 $0x0  }
0x11d: {  	s0 =	ssub.s32 s0, s2  }
0x11e: {  	p0 =	slt.s32 s0, $0x1  }
.Ltmp18:
0x11f: {  	_ = 	snop;
	(pc) =	sbr.rel @p0 .LBB2_18-.Ltmp18, $1  }
0x120: {  	_ =	sdelay $0x3  }
0x121: {  	p2 =	sne.s32 s0, $0x1  }
.Ltmp19:
0x122: {  	_ = 	snop;
	(pc) =	sbr.rel @!p2 .LBB2_20-.Ltmp19, $4  }
0x123: {  	_ = 	snop  }
0x124: {  	s2 =	simm.s32 $0xD800  }
0x125: {  	s19 =	simm.s32 $0xD8F0;
	s28 =	simm.s32 $0x0;
	v13 =	vld [tilespmem:s2+$0x0]  }
0x126: {  	v11 =	vmov s31;
	v10 =	vimm.f32 $+Inf;
	v9 =	vimm.s32 $0x0;
	s0 =	sadd.s32 $0xFFFFFFFF, s0;
	p0 =	por $0x0, $0x0;
	p1 =	por $0x0, $0x0;
	v12 =	vld [tilespmem:s19+$0x0]  }
0x127: {  	p2 =	sne.s32 s0, $0x1  }
.Ltmp20:
0x128: {  	v14 =	vor.u32 s28, v0;
	(pc) =	sbr.rel @!p2 .LBB2_22-.Ltmp20, $4  }
0x129: {  	vm0 =	vlt.s32 v14, v11  }
0x12a: {  	s2 =	simm.s32 $0xD810;
	v13 =	vnsel vm0, $0x7F800000, v13  }
0x12b: {  	s31 =	simm.s32 $0xD900;
	(xrf1) =	vsort.dscd.msk.f32 $0xffff, v13, v12;
	v13 =	vld [tilespmem:s2+$0x0]  }
0x12c: {  	s19 =	sadd.s32 $0xFFFFFFFF, s0;
	p0 =	por $0x1, $0x1;
	v12 =	vld [tilespmem:s31+$0x0]  }
0x12d: {  	_ =	sdelay $0x9  }
0x12e: {  	s29 =	simm.s32 $0x10  }
0x12f: {  	v14 =	vor.u32 s29, v0  }
0x130: {  	vm0 =	vlt.s32 v14, v11;
	v15, v16, _ =	vpop (xrf1)  }
0x131: {  	v13 =	vnsel vm0, $0x7F800000, v13;
	vm15 =	vlt.f32 v15, v10  }
0x132: {  	(xrf1) =	vsort.dscd.msk.f32 $0xffff, v13, v12;
	v12 =	vsel vm15, v15, v10;
	v14 =	vsel vm15, v16, v9  }
0x133: {  	(xrf1) =	vsort.ascd.msk.f32 $0xffff, v12, v14;
	_ =	sdelay $0x5  }
0x134: {  	p2 =	sne.s32 s19, $0x1  }
.Ltmp21:
0x135: {  	_ = 	snop;
	(pc) =	sbr.rel @!p2 .LBB2_25-.Ltmp21, $4  }
0x136: {  	_ = 	snop  }
0x137: {  	s0 =	simm.s32 $0xD820  }
0x138: {  	s2 =	simm.s32 $0xD910;
	v13 =	vld [tilespmem:s0+$0x0]  }
0x139: {  	s19 =	sadd.s32 $0xFFFFFFFF, s19;
	p1 =	por $0x1, $0x1;
	v12 =	vld [tilespmem:s2+$0x0]  }
.LBB2_24:
0x13a: {  	p2 =	sne.s32 s19, $0x1;
	s29 =	sadd.s32 $0x10, s29  }
0x13b: {  	v18 =	vor.u32 s29, v0;
	v15, v16, _ =	vpop (xrf1)  }
0x13c: {  	vm0 =	vlt.s32 v18, v11;
	v14, v17, _ =	vpop (xrf1)  }
0x13d: {  	v13 =	vnsel vm0, $0x7F800000, v13;
	vm0 =	vlt.f32 v15, v14  }
0x13e: {  	(xrf1) =	vsort.dscd.msk.f32 $0xffff, v13, v12;
	v12 =	vsel vm0, v15, v14;
	v13 =	vsel vm0, v16, v17  }
0x13f: {  	(xrf1) =	vsort.ascd.msk.f32 $0xffff, v12, v13;
	_ =	sdelay $0x6  }
.Ltmp22:
0x140: {  	(pc) =	sbr.rel @p2 .LBB2_24-.Ltmp22, $4  }
0x141: {  	_ = 	snop  }
0x142: {  	s0 =	sadd.s32 $0x10, s0  }
0x143: {  	s2 =	sadd.s32 $0x10, s2;
	v13 =	vld [tilespmem:s0+$0x0]  }
0x144: {  	s19 =	sadd.s32 $0xFFFFFFFF, s19;
	v12 =	vld [tilespmem:s2+$0x0]  }
.LBB2_25:
0x145: {  	s0 =	sadd.s32 @p0 $0x10, s29  }
0x146: {  	s28 =	smov.u32 @p0 s0;
	v14, v15, _ =	vpop @p0 (xrf1)  }
0x147: {  	v16 =	vor.u32 s28, v0;
	v17, v18, _ =	vpop @p1 (xrf1)  }
0x148: {  	vm0 =	vlt.s32 v16, v11;
	v11 =	vpsel p1, v17, v10  }
0x149: {  	v16 =	vpsel p1, v18, v9;
	v13 =	vnsel vm0, $0x7F800000, v13;
	vm0 =	vlt.f32 @p0 v14, v11  }
0x14a: {  	(xrf1) =	vsort.dscd.msk.f32 $0xffff, v13, v12;
	v11 =	vsel @p0 vm0, v14, v11;
	v12 =	vsel @p0 vm0, v15, v16  }
0x14b: {  	(xrf1) =	vsort.ascd.msk.f32 @p0 $0xffff, v11, v12;
	_ =	sdelay $0xc  }
0x14c: {  	v11, v12, _ =	vpop (xrf1)  }
0x14d: {  	v13, v14, _ =	vpop @p0 (xrf1)  }
0x14e: {  	v10 =	vpsel p0, v13, v10  }
0x14f: {  	v9 =	vpsel p0, v14, v9;
	vm15 =	vlt.f32 v11, v10  }
0x150: {  	v10 =	vsel vm15, v11, v10;
	v9 =	vsel vm15, v12, v9  }
0x151: {  	(xrf1) =	vsort.ascd.msk.f32 $0xffff, v10, v9;
	_ =	sdelay $0x9  }
.Ltmp23:
0x152: {  	_ = 	snop;
	(pc) =	sbr.rel .LBB2_26-.Ltmp23, $2  }
0x153: {  	_ =	sdelay $0x2  }
0x154: {  	v10, v9, _ =	vpop (xrf1)  }
.LBB2_20:
.Ltmp24:
0x155: {  	(pc) =	sbr.rel .LBB2_25-.Ltmp24, $2  }
0x156: {  	_ =	sdelay $0x2  }
0x157: {  	s29 =	simm.s32 $0x0  }
.LBB2_22:
.Ltmp25:
0x158: {  	(pc) =	sbr.rel .LBB2_25-.Ltmp25, $2  }
0x159: {  	_ =	sdelay $0x2  }
0x15a: {  	s29 =	simm.s32 $0x0  }
.LBB2_28:
0x15b: {  	_ =	sfence.sel $0x180000  }
0x15c: {  	[bflag:$0x0] =	sbarrier.arrive $0xFFFF  }
0x15d: {  	_ =	strace $0x90000047  }
0x15e: {  	s0 =	stileid.u32;
	[bflag:$0x2] =	sbarrier.arrive $0xFFFF  }
0x15f: {  	p0 =	sne.s32 s0, $0x0;
	s0 =	rddreg [dreg:$0x4]  }
0x160: {  	s0 =	sadd.s32 @!p0 $0x100000, s0  }
0x161: {  	[sflag:s0] =	ssyncadd.tile.s32 @!p0 $0x1;
	_ =	shalt  }
.Lfunc_end2:
_tile_overlayer_lowered:
.L_overlay_start_2:
0x162: {  	(tag) =	ssettag $0x2  }
0x163: {  	s0 =	rddreg [dreg:$0x0];
	s2 =	stileid.u32  }
0x164: {  	s1 =	rddreg [dreg:$0x1];
	p0 =	sne.s32 s2, $0x0  }
0x165: {  	s3 =	rddreg [dreg:$0x2];
	[bflag:$0x3] =	sbarrier.arrive $0xFFFF;
	s2 =	simm.s32 @!p0 $0x1C01  }
0x166: {  	[timem:s3], [sflag:s2] =	dma.local @!p0 [hbm:s0], s1  }
0x167: {  	s0 =	simm.s32 @!p0 $0x1  }
0x168: {  	_ =	swait.ge @!p0 [sflag:s0], s1  }
0x169: {  	s1 =	ssub.s32 @!p0 $0x0, s1;
	[sflag:s0] =	ssyncset.done @!p0 $0x0  }
0x16a: {  	[sflag:s0] =	ssyncadd.s32 @!p0 s1  }
0x16b: {  	[bflag:$0x3] =	sbarrier.arrive $0xFFFF  }
0x16c: {  	_ =	shalt  }

</sc_bundles>
